<compile_context>
chip_gen: v7x
topology: tpu7x:2x2x1
jax: 0.10.2.dev20260603
libtpu: 0.0.44.dev20260713+nightly
codegen_flags: <defaults>
</compile_context>

<pallas_src>
import functools

import jax
import jax.numpy as jnp
from jax import lax
from jax.experimental import pallas as pl
from jax.experimental.pallas import tpu as pltpu
from jax.experimental.pallas import tpu_sc as plsc

Z = 32
B = 16384

_NC = 2
_NS = 16
_NW = _NC * _NS
_BPW = B // _NW


def _make_kernel():
    mesh = plsc.VectorSubcoreMesh(core_axis_name="c", subcore_axis_name="s")

    @functools.partial(
        pl.kernel,
        mesh=mesh,
        compiler_params=pltpu.CompilerParams(
            skip_device_barrier=True,
            disable_bounds_checks=True,
            disable_semaphore_checks=True,
        ),
        out_type=(
            jax.ShapeDtypeStruct((B, Z), jnp.float32),
            jax.ShapeDtypeStruct((B, Z), jnp.float32),
        ),
        scratch_types=[
            pltpu.VMEM((_BPW,), jnp.int32),
            pltpu.VMEM((_BPW, Z), jnp.float32),
            [pltpu.SemaphoreType.DMA] * 8,
        ],
    )
    def k(u_hbm, mean_hbm, logvar_hbm, mean_out, logvar_out,
          idx_v, rows_v, sems):
        wid = lax.axis_index("s") * _NC + lax.axis_index("c")
        base = wid * _BPW
        pltpu.sync_copy(u_hbm.at[pl.ds(base, _BPW)], idx_v)

        def gather_one(table_hbm, out_hbm):
            @pl.loop(0, _BPW // 16)
            def _(g):
                vr = idx_v[pl.ds(g * 16, 16)]
                for kk in range(16):
                    r = vr[kk]
                    pltpu.async_copy(table_hbm.at[r],
                                     rows_v.at[g * 16 + kk], sems[kk % 8])

            for q in range(8):
                pltpu.make_async_copy(table_hbm.at[pl.ds(0, _BPW // 8), :],
                                      rows_v.at[pl.ds(0, _BPW // 8), :],
                                      sems[q]).wait()
            pltpu.sync_copy(rows_v, out_hbm.at[pl.ds(base, _BPW)])

        gather_one(mean_hbm, mean_out)
        gather_one(logvar_hbm, logvar_out)

    return k


_gather2 = jax.jit(_make_kernel())


def kernel(u, mean_table, log_variance_table):
    return _gather2(u, mean_table, log_variance_table)

# --- scband reference (transcript-rebuilt; emitter-appended) ---
"""Pipeline reference for scband-label-prior-discrete-7773890806128 (READ-ONLY COPY).

The authoritative reference and input builder live on the scoring server;
editing this copy changes nothing except your own understanding.
"""

import jax, jax.numpy as jnp
import numpy as np

U_DIM = 1000000
Z_DIM = 32
BATCH = 16384

def setup_inputs(seed: int = 0) -> dict:
    key = jax.random.key(seed)
    k1, k2, k3 = jax.random.split(key, 3)
    u = jax.random.randint(k1, (BATCH,), 0, U_DIM, dtype=jnp.int64) if jax.config.jax_enable_x64 else jax.random.randint(k1, (BATCH,), 0, U_DIM, dtype=jnp.int32)
    mean_table = jax.random.normal(k2, (U_DIM, Z_DIM), dtype=jnp.float32)
    log_variance_table = jax.random.normal(k3, (U_DIM, Z_DIM), dtype=jnp.float32)
    return {"u": u, "mean_table": mean_table, "log_variance_table": log_variance_table}

def reference(u, mean_table, log_variance_table):
    # nn.Embedding lookup == row gather from table
    mean = jnp.take(mean_table, u, axis=0)
    log_variance = jnp.take(log_variance_table, u, axis=0)
    return (mean, log_variance)

if __name__ == "__main__":
    import jax
    _d = setup_inputs()
    print(jax.jit(kernel)(*tuple(_d.values())))

</pallas_src>

<mosaic_0001>
#map = affine_map<(d0, d1) -> (0)>
#map1 = affine_map<(d0, d1) -> (0, 0)>
module attributes {stable_mosaic.version = 14 : i64} {
  func.func @k(%arg0: i32, %arg1: i32, %arg2: memref<16384xi32, #tpu.memory_space<hbm>>, %arg3: memref<1000000x32xf32, #tpu.memory_space<hbm>>, %arg4: memref<1000000x32xf32, #tpu.memory_space<hbm>>, %arg5: memref<16384x32xf32, #tpu.memory_space<hbm>>, %arg6: memref<16384x32xf32, #tpu.memory_space<hbm>>, %arg7: memref<512xi32, #tpu.memory_space<vmem>>, %arg8: memref<512x32xf32, #tpu.memory_space<vmem>>, %arg9: memref<!tpu.dma_semaphore, #tpu.memory_space<semaphore_mem>>, %arg10: memref<!tpu.dma_semaphore, #tpu.memory_space<semaphore_mem>>, %arg11: memref<!tpu.dma_semaphore, #tpu.memory_space<semaphore_mem>>, %arg12: memref<!tpu.dma_semaphore, #tpu.memory_space<semaphore_mem>>, %arg13: memref<!tpu.dma_semaphore, #tpu.memory_space<semaphore_mem>>, %arg14: memref<!tpu.dma_semaphore, #tpu.memory_space<semaphore_mem>>, %arg15: memref<!tpu.dma_semaphore, #tpu.memory_space<semaphore_mem>>, %arg16: memref<!tpu.dma_semaphore, #tpu.memory_space<semaphore_mem>>) attributes {dimension_semantics = [#tpu.dimension_semantics<core_parallel>, #tpu.dimension_semantics<subcore_parallel>], iteration_bounds = array<i64: 2, 16>, scalar_prefetch = 0 : i64, scratch_operands = 10 : i64, tpu.core_type = #tpu.core_type<sc_vector_subcore>, window_params = [{transform_indices = #map}, {transform_indices = #map1}, {transform_indices = #map1}, {transform_indices = #map1}, {transform_indices = #map1}]} {
    %mul3A = arith.constant 2 : i32
    %mul3A_0 = arith.muli %arg1, %mul3A : i32
    %add3A = arith.addi %mul3A_0, %arg0 : i32
    %mul3A_1 = arith.constant 512 : i32
    %mul3A_2 = arith.muli %add3A, %mul3A_1 : i32
    "tpu.region"() ({
      %run_scoped3A = tpu.sem_alloc : memref<!tpu.dma_semaphore, #tpu.memory_space<semaphore_mem>>
      %dma_start3A = tpu.memref_slice %arg2[%mul3A_2] : memref<16384xi32, #tpu.memory_space<hbm>> -> memref<512xi32, #tpu.memory_space<hbm>>
      %dma_start3A_203 = tpu.memref_slice %arg2[%mul3A_2] : memref<16384xi32, #tpu.memory_space<hbm>> -> memref<512xi32, #tpu.memory_space<hbm>>
      tpu.enqueue_dma source(%dma_start3A_203 : memref<512xi32, #tpu.memory_space<hbm>>) target(%arg7 : memref<512xi32, #tpu.memory_space<vmem>>) target_semaphore(%run_scoped3A : memref<!tpu.dma_semaphore, #tpu.memory_space<semaphore_mem>>)
      %dma_wait3A_204 = tpu.memref_slice %arg2[%mul3A_2] : memref<16384xi32, #tpu.memory_space<hbm>> -> memref<512xi32, #tpu.memory_space<hbm>>
      %dma_wait3A_205 = tpu.memref_slice %arg2[%mul3A_2] : memref<16384xi32, #tpu.memory_space<hbm>> -> memref<512xi32, #tpu.memory_space<hbm>>
      tpu.wait_dma2 semaphore(%run_scoped3A : memref<!tpu.dma_semaphore, #tpu.memory_space<semaphore_mem>>) src(%dma_wait3A_205 : memref<512xi32, #tpu.memory_space<hbm>>) dst(%arg7 : memref<512xi32, #tpu.memory_space<vmem>>)
      tpu.yield
    }) : () -> ()
    %scan3A = arith.constant 0 : i32
    %scan3A_3 = arith.constant 32 : i32
    %scan3A_4 = arith.addi %scan3A, %scan3A_3 : i32
    %scan3A_5 = arith.constant 1 : i32
    scf.for %scan3A_203 = %scan3A to %scan3A_4 step %scan3A_5  : i32 {
      %mul3A_204 = arith.constant 1 : i32
      %mul3A_205 = arith.muli %scan3A_203, %mul3A_204 : i32
      %add3A_206 = arith.constant 0 : i32
      %add3A_207 = arith.addi %add3A_206, %mul3A_205 : i32
      %mul3A_208 = arith.constant 16 : i32
      %mul3A_209 = arith.muli %add3A_207, %mul3A_208 : i32
      %get3A = arith.index_cast %mul3A_209 : i32 to index
      %get3A_210 = tpu.vector_load %arg7[%get3A] {strides = array<i32>} : memref<512xi32, #tpu.memory_space<vmem>>, vector<16xi32>,
      %get3A_211 = vector.shape_cast %get3A_210 : vector<16xi32> to vector<16xi32>
      %slice3A = vector.extract_strided_slice %get3A_211 {offsets = [0], sizes = [1], strides = [1]} : vector<16xi32> to vector<1xi32>
      %squeeze3A = vector.extract %slice3A[0] : i32 from vector<1xi32>
      %mul3A_212 = arith.constant 16 : i32
      %mul3A_213 = arith.muli %add3A_207, %mul3A_212 : i32
      %add3A_214 = arith.constant 0 : i32
      %add3A_215 = arith.addi %mul3A_213, %add3A_214 : i32
      %dma_start3A = arith.constant 0 : i32
      %dma_start3A_216 = tpu.memref_slice %arg8[%add3A_215, %dma_start3A] : memref<512x32xf32, #tpu.memory_space<vmem>> -> memref<1x32xf32, #tpu.memory_space<vmem>>
      %dma_start3A_217 = tpu.memref_squeeze %dma_start3A_216 : memref<1x32xf32, #tpu.memory_space<vmem>> -> memref<32xf32, #tpu.memory_space<vmem>>
      %dma_start3A_218 = arith.constant 0 : i32
      %dma_start3A_219 = tpu.memref_slice %arg3[%squeeze3A, %dma_start3A_218] : memref<1000000x32xf32, #tpu.memory_space<hbm>> -> memref<1x32xf32, #tpu.memory_space<hbm>>
      %dma_start3A_220 = tpu.memref_squeeze %dma_start3A_219 : memref<1x32xf32, #tpu.memory_space<hbm>> -> memref<32xf32, #tpu.memory_space<hbm>>
      %dma_start3A_221 = arith.constant 0 : i32
      %dma_start3A_222 = tpu.memref_slice %arg8[%add3A_215, %dma_start3A_221] : memref<512x32xf32, #tpu.memory_space<vmem>> -> memref<1x32xf32, #tpu.memory_space<vmem>>
      %dma_start3A_223 = tpu.memref_squeeze %dma_start3A_222 : memref<1x32xf32, #tpu.memory_space<vmem>> -> memref<32xf32, #tpu.memory_space<vmem>>
      %dma_start3A_224 = arith.constant 0 : i32
      %dma_start3A_225 = tpu.memref_slice %arg3[%squeeze3A, %dma_start3A_224] : memref<1000000x32xf32, #tpu.memory_space<hbm>> -> memref<1x32xf32, #tpu.memory_space<hbm>>
      %dma_start3A_226 = tpu.memref_squeeze %dma_start3A_225 : memref<1x32xf32, #tpu.memory_space<hbm>> -> memref<32xf32, #tpu.memory_space<hbm>>
      tpu.enqueue_dma source(%dma_start3A_226 : memref<32xf32, #tpu.memory_space<hbm>>) target(%dma_start3A_223 : memref<32xf32, #tpu.memory_space<vmem>>) target_semaphore(%arg9 : memref<!tpu.dma_semaphore, #tpu.memory_space<semaphore_mem>>)
      %slice3A_227 = vector.extract_strided_slice %get3A_211 {offsets = [1], sizes = [1], strides = [1]} : vector<16xi32> to vector<1xi32>
      %squeeze3A_228 = vector.extract %slice3A_227[0] : i32 from vector<1xi32>
      %mul3A_229 = arith.constant 16 : i32
      %mul3A_230 = arith.muli %add3A_207, %mul3A_229 : i32
      %add3A_231 = arith.constant 1 : i32
      %add3A_232 = arith.addi %mul3A_230, %add3A_231 : i32
      %dma_start3A_233 = arith.constant 0 : i32
      %dma_start3A_234 = tpu.memref_slice %arg8[%add3A_232, %dma_start3A_233] : memref<512x32xf32, #tpu.memory_space<vmem>> -> memref<1x32xf32, #tpu.memory_space<vmem>>
      %dma_start3A_235 = tpu.memref_squeeze %dma_start3A_234 : memref<1x32xf32, #tpu.memory_space<vmem>> -> memref<32xf32, #tpu.memory_space<vmem>>
      %dma_start3A_236 = arith.constant 0 : i32
      %dma_start3A_237 = tpu.memref_slice %arg3[%squeeze3A_228, %dma_start3A_236] : memref<1000000x32xf32, #tpu.memory_space<hbm>> -> memref<1x32xf32, #tpu.memory_space<hbm>>
      %dma_start3A_238 = tpu.memref_squeeze %dma_start3A_237 : memref<1x32xf32, #tpu.memory_space<hbm>> -> memref<32xf32, #tpu.memory_space<hbm>>
      %dma_start3A_239 = arith.constant 0 : i32
      %dma_start3A_240 = tpu.memref_slice %arg8[%add3A_232, %dma_start3A_239] : memref<512x32xf32, #tpu.memory_space<vmem>> -> memref<1x32xf32, #tpu.memory_space<vmem>>
      %dma_start3A_241 = tpu.memref_squeeze %dma_start3A_240 : memref<1x32xf32, #tpu.memory_space<vmem>> -> memref<32xf32, #tpu.memory_space<vmem>>
      %dma_start3A_242 = arith.constant 0 : i32
      %dma_start3A_243 = tpu.memref_slice %arg3[%squeeze3A_228, %dma_start3A_242] : memref<1000000x32xf32, #tpu.memory_space<hbm>> -> memref<1x32xf32, #tpu.memory_space<hbm>>
      %dma_start3A_244 = tpu.memref_squeeze %dma_start3A_243 : memref<1x32xf32, #tpu.memory_space<hbm>> -> memref<32xf32, #tpu.memory_space<hbm>>
      tpu.enqueue_dma source(%dma_start3A_244 : memref<32xf32, #tpu.memory_space<hbm>>) target(%dma_start3A_241 : memref<32xf32, #tpu.memory_space<vmem>>) target_semaphore(%arg10 : memref<!tpu.dma_semaphore, #tpu.memory_space<semaphore_mem>>)
      %slice3A_245 = vector.extract_strided_slice %get3A_211 {offsets = [2], sizes = [1], strides = [1]} : vector<16xi32> to vector<1xi32>
      %squeeze3A_246 = vector.extract %slice3A_245[0] : i32 from vector<1xi32>
      %mul3A_247 = arith.constant 16 : i32
      %mul3A_248 = arith.muli %add3A_207, %mul3A_247 : i32
      %add3A_249 = arith.constant 2 : i32
      %add3A_250 = arith.addi %mul3A_248, %add3A_249 : i32
      %dma_start3A_251 = arith.constant 0 : i32
      %dma_start3A_252 = tpu.memref_slice %arg8[%add3A_250, %dma_start3A_251] : memref<512x32xf32, #tpu.memory_space<vmem>> -> memref<1x32xf32, #tpu.memory_space<vmem>>
      %dma_start3A_253 = tpu.memref_squeeze %dma_start3A_252 : memref<1x32xf32, #tpu.memory_space<vmem>> -> memref<32xf32, #tpu.memory_space<vmem>>
      %dma_start3A_254 = arith.constant 0 : i32
      %dma_start3A_255 = tpu.memref_slice %arg3[%squeeze3A_246, %dma_start3A_254] : memref<1000000x32xf32, #tpu.memory_space<hbm>> -> memref<1x32xf32, #tpu.memory_space<hbm>>
      %dma_start3A_256 = tpu.memref_squeeze %dma_start3A_255 : memref<1x32xf32, #tpu.memory_space<hbm>> -> memref<32xf32, #tpu.memory_space<hbm>>
      %dma_start3A_257 = arith.constant 0 : i32
      %dma_start3A_258 = tpu.memref_slice %arg8[%add3A_250, %dma_start3A_257] : memref<512x32xf32, #tpu.memory_space<vmem>> -> memref<1x32xf32, #tpu.memory_space<vmem>>
      %dma_start3A_259 = tpu.memref_squeeze %dma_start3A_258 : memref<1x32xf32, #tpu.memory_space<vmem>> -> memref<32xf32, #tpu.memory_space<vmem>>
      %dma_start3A_260 = arith.constant 0 : i32
      %dma_start3A_261 = tpu.memref_slice %arg3[%squeeze3A_246, %dma_start3A_260] : memref<1000000x32xf32, #tpu.memory_space<hbm>> -> memref<1x32xf32, #tpu.memory_space<hbm>>
      %dma_start3A_262 = tpu.memref_squeeze %dma_start3A_261 : memref<1x32xf32, #tpu.memory_space<hbm>> -> memref<32xf32, #tpu.memory_space<hbm>>
      tpu.enqueue_dma source(%dma_start3A_262 : memref<32xf32, #tpu.memory_space<hbm>>) target(%dma_start3A_259 : memref<32xf32, #tpu.memory_space<vmem>>) target_semaphore(%arg11 : memref<!tpu.dma_semaphore, #tpu.memory_space<semaphore_mem>>)
      %slice3A_263 = vector.extract_strided_slice %get3A_211 {offsets = [3], sizes = [1], strides = [1]} : vector<16xi32> to vector<1xi32>
      %squeeze3A_264 = vector.extract %slice3A_263[0] : i32 from vector<1xi32>
      %mul3A_265 = arith.constant 16 : i32
      %mul3A_266 = arith.muli %add3A_207, %mul3A_265 : i32
      %add3A_267 = arith.constant 3 : i32
      %add3A_268 = arith.addi %mul3A_266, %add3A_267 : i32
      %dma_start3A_269 = arith.constant 0 : i32
      %dma_start3A_270 = tpu.memref_slice %arg8[%add3A_268, %dma_start3A_269] : memref<512x32xf32, #tpu.memory_space<vmem>> -> memref<1x32xf32, #tpu.memory_space<vmem>>
      %dma_start3A_271 = tpu.memref_squeeze %dma_start3A_270 : memref<1x32xf32, #tpu.memory_space<vmem>> -> memref<32xf32, #tpu.memory_space<vmem>>
      %dma_start3A_272 = arith.constant 0 : i32
      %dma_start3A_273 = tpu.memref_slice %arg3[%squeeze3A_264, %dma_start3A_272] : memref<1000000x32xf32, #tpu.memory_space<hbm>> -> memref<1x32xf32, #tpu.memory_space<hbm>>
      %dma_start3A_274 = tpu.memref_squeeze %dma_start3A_273 : memref<1x32xf32, #tpu.memory_space<hbm>> -> memref<32xf32, #tpu.memory_space<hbm>>
      %dma_start3A_275 = arith.constant 0 : i32
      %dma_start3A_276 = tpu.memref_slice %arg8[%add3A_268, %dma_start3A_275] : memref<512x32xf32, #tpu.memory_space<vmem>> -> memref<1x32xf32, #tpu.memory_space<vmem>>
      %dma_start3A_277 = tpu.memref_squeeze %dma_start3A_276 : memref<1x32xf32, #tpu.memory_space<vmem>> -> memref<32xf32, #tpu.memory_space<vmem>>
      %dma_start3A_278 = arith.constant 0 : i32
      %dma_start3A_279 = tpu.memref_slice %arg3[%squeeze3A_264, %dma_start3A_278] : memref<1000000x32xf32, #tpu.memory_space<hbm>> -> memref<1x32xf32, #tpu.memory_space<hbm>>
      %dma_start3A_280 = tpu.memref_squeeze %dma_start3A_279 : memref<1x32xf32, #tpu.memory_space<hbm>> -> memref<32xf32, #tpu.memory_space<hbm>>
      tpu.enqueue_dma source(%dma_start3A_280 : memref<32xf32, #tpu.memory_space<hbm>>) target(%dma_start3A_277 : memref<32xf32, #tpu.memory_space<vmem>>) target_semaphore(%arg12 : memref<!tpu.dma_semaphore, #tpu.memory_space<semaphore_mem>>)
      %slice3A_281 = vector.extract_strided_slice %get3A_211 {offsets = [4], sizes = [1], strides = [1]} : vector<16xi32> to vector<1xi32>
      %squeeze3A_282 = vector.extract %slice3A_281[0] : i32 from vector<1xi32>
      %mul3A_283 = arith.constant 16 : i32
      %mul3A_284 = arith.muli %add3A_207, %mul3A_283 : i32
      %add3A_285 = arith.constant 4 : i32
      %add3A_286 = arith.addi %mul3A_284, %add3A_285 : i32
      %dma_start3A_287 = arith.constant 0 : i32
      %dma_start3A_288 = tpu.memref_slice %arg8[%add3A_286, %dma_start3A_287] : memref<512x32xf32, #tpu.memory_space<vmem>> -> memref<1x32xf32, #tpu.memory_space<vmem>>
      %dma_start3A_289 = tpu.memref_squeeze %dma_start3A_288 : memref<1x32xf32, #tpu.memory_space<vmem>> -> memref<32xf32, #tpu.memory_space<vmem>>
      %dma_start3A_290 = arith.constant 0 : i32
      %dma_start3A_291 = tpu.memref_slice %arg3[%squeeze3A_282, %dma_start3A_290] : memref<1000000x32xf32, #tpu.memory_space<hbm>> -> memref<1x32xf32, #tpu.memory_space<hbm>>
      %dma_start3A_292 = tpu.memref_squeeze %dma_start3A_291 : memref<1x32xf32, #tpu.memory_space<hbm>> -> memref<32xf32, #tpu.memory_space<hbm>>
      %dma_start3A_293 = arith.constant 0 : i32
      %dma_start3A_294 = tpu.memref_slice %arg8[%add3A_286, %dma_start3A_293] : memref<512x32xf32, #tpu.memory_space<vmem>> -> memref<1x32xf32, #tpu.memory_space<vmem>>
      %dma_start3A_295 = tpu.memref_squeeze %dma_start3A_294 : memref<1x32xf32, #tpu.memory_space<vmem>> -> memref<32xf32, #tpu.memory_space<vmem>>
      %dma_start3A_296 = arith.constant 0 : i32
      %dma_start3A_297 = tpu.memref_slice %arg3[%squeeze3A_282, %dma_start3A_296] : memref<1000000x32xf32, #tpu.memory_space<hbm>> -> memref<1x32xf32, #tpu.memory_space<hbm>>
      %dma_start3A_298 = tpu.memref_squeeze %dma_start3A_297 : memref<1x32xf32, #tpu.memory_space<hbm>> -> memref<32xf32, #tpu.memory_space<hbm>>
      tpu.enqueue_dma source(%dma_start3A_298 : memref<32xf32, #tpu.memory_space<hbm>>) target(%dma_start3A_295 : memref<32xf32, #tpu.memory_space<vmem>>) target_semaphore(%arg13 : memref<!tpu.dma_semaphore, #tpu.memory_space<semaphore_mem>>)
      %slice3A_299 = vector.extract_strided_slice %get3A_211 {offsets = [5], sizes = [1], strides = [1]} : vector<16xi32> to vector<1xi32>
      %squeeze3A_300 = vector.extract %slice3A_299[0] : i32 from vector<1xi32>
      %mul3A_301 = arith.constant 16 : i32
      %mul3A_302 = arith.muli %add3A_207, %mul3A_301 : i32
      %add3A_303 = arith.constant 5 : i32
      %add3A_304 = arith.addi %mul3A_302, %add3A_303 : i32
      %dma_start3A_305 = arith.constant 0 : i32
      %dma_start3A_306 = tpu.memref_slice %arg8[%add3A_304, %dma_start3A_305] : memref<512x32xf32, #tpu.memory_space<vmem>> -> memref<1x32xf32, #tpu.memory_space<vmem>>
      %dma_start3A_307 = tpu.memref_squeeze %dma_start3A_306 : memref<1x32xf32, #tpu.memory_space<vmem>> -> memref<32xf32, #tpu.memory_space<vmem>>
      %dma_start3A_308 = arith.constant 0 : i32
      %dma_start3A_309 = tpu.memref_slice %arg3[%squeeze3A_300, %dma_start3A_308] : memref<1000000x32xf32, #tpu.memory_space<hbm>> -> memref<1x32xf32, #tpu.memory_space<hbm>>
      %dma_start3A_310 = tpu.memref_squeeze %dma_start3A_309 : memref<1x32xf32, #tpu.memory_space<hbm>> -> memref<32xf32, #tpu.memory_space<hbm>>
      %dma_start3A_311 = arith.constant 0 : i32
      %dma_start3A_312 = tpu.memref_slice %arg8[%add3A_304, %dma_start3A_311] : memref<512x32xf32, #tpu.memory_space<vmem>> -> memref<1x32xf32, #tpu.memory_space<vmem>>
      %dma_start3A_313 = tpu.memref_squeeze %dma_start3A_312 : memref<1x32xf32, #tpu.memory_space<vmem>> -> memref<32xf32, #tpu.memory_space<vmem>>
      %dma_start3A_314 = arith.constant 0 : i32
      %dma_start3A_315 = tpu.memref_slice %arg3[%squeeze3A_300, %dma_start3A_314] : memref<1000000x32xf32, #tpu.memory_space<hbm>> -> memref<1x32xf32, #tpu.memory_space<hbm>>
      %dma_start3A_316 = tpu.memref_squeeze %dma_start3A_315 : memref<1x32xf32, #tpu.memory_space<hbm>> -> memref<32xf32, #tpu.memory_space<hbm>>
      tpu.enqueue_dma source(%dma_start3A_316 : memref<32xf32, #tpu.memory_space<hbm>>) target(%dma_start3A_313 : memref<32xf32, #tpu.memory_space<vmem>>) target_semaphore(%arg14 : memref<!tpu.dma_semaphore, #tpu.memory_space<semaphore_mem>>)
      %slice3A_317 = vector.extract_strided_slice %get3A_211 {offsets = [6], sizes = [1], strides = [1]} : vector<16xi32> to vector<1xi32>
      %squeeze3A_318 = vector.extract %slice3A_317[0] : i32 from vector<1xi32>
      %mul3A_319 = arith.constant 16 : i32
      %mul3A_320 = arith.muli %add3A_207, %mul3A_319 : i32
      %add3A_321 = arith.constant 6 : i32
      %add3A_322 = arith.addi %mul3A_320, %add3A_321 : i32
      %dma_start3A_323 = arith.constant 0 : i32
      %dma_start3A_324 = tpu.memref_slice %arg8[%add3A_322, %dma_start3A_323] : memref<512x32xf32, #tpu.memory_space<vmem>> -> memref<1x32xf32, #tpu.memory_space<vmem>>
      %dma_start3A_325 = tpu.memref_squeeze %dma_start3A_324 : memref<1x32xf32, #tpu.memory_space<vmem>> -> memref<32xf32, #tpu.memory_space<vmem>>
      %dma_start3A_326 = arith.constant 0 : i32
      %dma_start3A_327 = tpu.memref_slice %arg3[%squeeze3A_318, %dma_start3A_326] : memref<1000000x32xf32, #tpu.memory_space<hbm>> -> memref<1x32xf32, #tpu.memory_space<hbm>>
      %dma_start3A_328 = tpu.memref_squeeze %dma_start3A_327 : memref<1x32xf32, #tpu.memory_space<hbm>> -> memref<32xf32, #tpu.memory_space<hbm>>
      %dma_start3A_329 = arith.constant 0 : i32
      %dma_start3A_330 = tpu.memref_slice %arg8[%add3A_322, %dma_start3A_329] : memref<512x32xf32, #tpu.memory_space<vmem>> -> memref<1x32xf32, #tpu.memory_space<vmem>>
      %dma_start3A_331 = tpu.memref_squeeze %dma_start3A_330 : memref<1x32xf32, #tpu.memory_space<vmem>> -> memref<32xf32, #tpu.memory_space<vmem>>
      %dma_start3A_332 = arith.constant 0 : i32
      %dma_start3A_333 = tpu.memref_slice %arg3[%squeeze3A_318, %dma_start3A_332] : memref<1000000x32xf32, #tpu.memory_space<hbm>> -> memref<1x32xf32, #tpu.memory_space<hbm>>
      %dma_start3A_334 = tpu.memref_squeeze %dma_start3A_333 : memref<1x32xf32, #tpu.memory_space<hbm>> -> memref<32xf32, #tpu.memory_space<hbm>>
      tpu.enqueue_dma source(%dma_start3A_334 : memref<32xf32, #tpu.memory_space<hbm>>) target(%dma_start3A_331 : memref<32xf32, #tpu.memory_space<vmem>>) target_semaphore(%arg15 : memref<!tpu.dma_semaphore, #tpu.memory_space<semaphore_mem>>)
      %slice3A_335 = vector.extract_strided_slice %get3A_211 {offsets = [7], sizes = [1], strides = [1]} : vector<16xi32> to vector<1xi32>
      %squeeze3A_336 = vector.extract %slice3A_335[0] : i32 from vector<1xi32>
      %mul3A_337 = arith.constant 16 : i32
      %mul3A_338 = arith.muli %add3A_207, %mul3A_337 : i32
      %add3A_339 = arith.constant 7 : i32
      %add3A_340 = arith.addi %mul3A_338, %add3A_339 : i32
      %dma_start3A_341 = arith.constant 0 : i32
      %dma_start3A_342 = tpu.memref_slice %arg8[%add3A_340, %dma_start3A_341] : memref<512x32xf32, #tpu.memory_space<vmem>> -> memref<1x32xf32, #tpu.memory_space<vmem>>
      %dma_start3A_343 = tpu.memref_squeeze %dma_start3A_342 : memref<1x32xf32, #tpu.memory_space<vmem>> -> memref<32xf32, #tpu.memory_space<vmem>>
      %dma_start3A_344 = arith.constant 0 : i32
      %dma_start3A_345 = tpu.memref_slice %arg3[%squeeze3A_336, %dma_start3A_344] : memref<1000000x32xf32, #tpu.memory_space<hbm>> -> memref<1x32xf32, #tpu.memory_space<hbm>>
      %dma_start3A_346 = tpu.memref_squeeze %dma_start3A_345 : memref<1x32xf32, #tpu.memory_space<hbm>> -> memref<32xf32, #tpu.memory_space<hbm>>
      %dma_start3A_347 = arith.constant 0 : i32
      %dma_start3A_348 = tpu.memref_slice %arg8[%add3A_340, %dma_start3A_347] : memref<512x32xf32, #tpu.memory_space<vmem>> -> memref<1x32xf32, #tpu.memory_space<vmem>>
      %dma_start3A_349 = tpu.memref_squeeze %dma_start3A_348 : memref<1x32xf32, #tpu.memory_space<vmem>> -> memref<32xf32, #tpu.memory_space<vmem>>
      %dma_start3A_350 = arith.constant 0 : i32
      %dma_start3A_351 = tpu.memref_slice %arg3[%squeeze3A_336, %dma_start3A_350] : memref<1000000x32xf32, #tpu.memory_space<hbm>> -> memref<1x32xf32, #tpu.memory_space<hbm>>
      %dma_start3A_352 = tpu.memref_squeeze %dma_start3A_351 : memref<1x32xf32, #tpu.memory_space<hbm>> -> memref<32xf32, #tpu.memory_space<hbm>>
      tpu.enqueue_dma source(%dma_start3A_352 : memref<32xf32, #tpu.memory_space<hbm>>) target(%dma_start3A_349 : memref<32xf32, #tpu.memory_space<vmem>>) target_semaphore(%arg16 : memref<!tpu.dma_semaphore, #tpu.memory_space<semaphore_mem>>)
      %slice3A_353 = vector.extract_strided_slice %get3A_211 {offsets = [8], sizes = [1], strides = [1]} : vector<16xi32> to vector<1xi32>
      %squeeze3A_354 = vector.extract %slice3A_353[0] : i32 from vector<1xi32>
      %mul3A_355 = arith.constant 16 : i32
      %mul3A_356 = arith.muli %add3A_207, %mul3A_355 : i32
      %add3A_357 = arith.constant 8 : i32
      %add3A_358 = arith.addi %mul3A_356, %add3A_357 : i32
      %dma_start3A_359 = arith.constant 0 : i32
      %dma_start3A_360 = tpu.memref_slice %arg8[%add3A_358, %dma_start3A_359] : memref<512x32xf32, #tpu.memory_space<vmem>> -> memref<1x32xf32, #tpu.memory_space<vmem>>
      %dma_start3A_361 = tpu.memref_squeeze %dma_start3A_360 : memref<1x32xf32, #tpu.memory_space<vmem>> -> memref<32xf32, #tpu.memory_space<vmem>>
      %dma_start3A_362 = arith.constant 0 : i32
      %dma_start3A_363 = tpu.memref_slice %arg3[%squeeze3A_354, %dma_start3A_362] : memref<1000000x32xf32, #tpu.memory_space<hbm>> -> memref<1x32xf32, #tpu.memory_space<hbm>>
      %dma_start3A_364 = tpu.memref_squeeze %dma_start3A_363 : memref<1x32xf32, #tpu.memory_space<hbm>> -> memref<32xf32, #tpu.memory_space<hbm>>
      %dma_start3A_365 = arith.constant 0 : i32
      %dma_start3A_366 = tpu.memref_slice %arg8[%add3A_358, %dma_start3A_365] : memref<512x32xf32, #tpu.memory_space<vmem>> -> memref<1x32xf32, #tpu.memory_space<vmem>>
      %dma_start3A_367 = tpu.memref_squeeze %dma_start3A_366 : memref<1x32xf32, #tpu.memory_space<vmem>> -> memref<32xf32, #tpu.memory_space<vmem>>
      %dma_start3A_368 = arith.constant 0 : i32
      %dma_start3A_369 = tpu.memref_slice %arg3[%squeeze3A_354, %dma_start3A_368] : memref<1000000x32xf32, #tpu.memory_space<hbm>> -> memref<1x32xf32, #tpu.memory_space<hbm>>
      %dma_start3A_370 = tpu.memref_squeeze %dma_start3A_369 : memref<1x32xf32, #tpu.memory_space<hbm>> -> memref<32xf32, #tpu.memory_space<hbm>>
      tpu.enqueue_dma source(%dma_start3A_370 : memref<32xf32, #tpu.memory_space<hbm>>) target(%dma_start3A_367 : memref<32xf32, #tpu.memory_space<vmem>>) target_semaphore(%arg9 : memref<!tpu.dma_semaphore, #tpu.memory_space<semaphore_mem>>)
      %slice3A_371 = vector.extract_strided_slice %get3A_211 {offsets = [9], sizes = [1], strides = [1]} : vector<16xi32> to vector<1xi32>
      %squeeze3A_372 = vector.extract %slice3A_371[0] : i32 from vector<1xi32>
      %mul3A_373 = arith.constant 16 : i32
      %mul3A_374 = arith.muli %add3A_207, %mul3A_373 : i32
      %add3A_375 = arith.constant 9 : i32
      %add3A_376 = arith.addi %mul3A_374, %add3A_375 : i32
      %dma_start3A_377 = arith.constant 0 : i32
      %dma_start3A_378 = tpu.memref_slice %arg8[%add3A_376, %dma_start3A_377] : memref<512x32xf32, #tpu.memory_space<vmem>> -> memref<1x32xf32, #tpu.memory_space<vmem>>
      %dma_start3A_379 = tpu.memref_squeeze %dma_start3A_378 : memref<1x32xf32, #tpu.memory_space<vmem>> -> memref<32xf32, #tpu.memory_space<vmem>>
      %dma_start3A_380 = arith.constant 0 : i32
      %dma_start3A_381 = tpu.memref_slice %arg3[%squeeze3A_372, %dma_start3A_380] : memref<1000000x32xf32, #tpu.memory_space<hbm>> -> memref<1x32xf32, #tpu.memory_space<hbm>>
      %dma_start3A_382 = tpu.memref_squeeze %dma_start3A_381 : memref<1x32xf32, #tpu.memory_space<hbm>> -> memref<32xf32, #tpu.memory_space<hbm>>
      %dma_start3A_383 = arith.constant 0 : i32
      %dma_start3A_384 = tpu.memref_slice %arg8[%add3A_376, %dma_start3A_383] : memref<512x32xf32, #tpu.memory_space<vmem>> -> memref<1x32xf32, #tpu.memory_space<vmem>>
      %dma_start3A_385 = tpu.memref_squeeze %dma_start3A_384 : memref<1x32xf32, #tpu.memory_space<vmem>> -> memref<32xf32, #tpu.memory_space<vmem>>
      %dma_start3A_386 = arith.constant 0 : i32
      %dma_start3A_387 = tpu.memref_slice %arg3[%squeeze3A_372, %dma_start3A_386] : memref<1000000x32xf32, #tpu.memory_space<hbm>> -> memref<1x32xf32, #tpu.memory_space<hbm>>
      %dma_start3A_388 = tpu.memref_squeeze %dma_start3A_387 : memref<1x32xf32, #tpu.memory_space<hbm>> -> memref<32xf32, #tpu.memory_space<hbm>>
      tpu.enqueue_dma source(%dma_start3A_388 : memref<32xf32, #tpu.memory_space<hbm>>) target(%dma_start3A_385 : memref<32xf32, #tpu.memory_space<vmem>>) target_semaphore(%arg10 : memref<!tpu.dma_semaphore, #tpu.memory_space<semaphore_mem>>)
      %slice3A_389 = vector.extract_strided_slice %get3A_211 {offsets = [10], sizes = [1], strides = [1]} : vector<16xi32> to vector<1xi32>
      %squeeze3A_390 = vector.extract %slice3A_389[0] : i32 from vector<1xi32>
      %mul3A_391 = arith.constant 16 : i32
      %mul3A_392 = arith.muli %add3A_207, %mul3A_391 : i32
      %add3A_393 = arith.constant 10 : i32
      %add3A_394 = arith.addi %mul3A_392, %add3A_393 : i32
      %dma_start3A_395 = arith.constant 0 : i32
      %dma_start3A_396 = tpu.memref_slice %arg8[%add3A_394, %dma_start3A_395] : memref<512x32xf32, #tpu.memory_space<vmem>> -> memref<1x32xf32, #tpu.memory_space<vmem>>
      %dma_start3A_397 = tpu.memref_squeeze %dma_start3A_396 : memref<1x32xf32, #tpu.memory_space<vmem>> -> memref<32xf32, #tpu.memory_space<vmem>>
      %dma_start3A_398 = arith.constant 0 : i32
      %dma_start3A_399 = tpu.memref_slice %arg3[%squeeze3A_390, %dma_start3A_398] : memref<1000000x32xf32, #tpu.memory_space<hbm>> -> memref<1x32xf32, #tpu.memory_space<hbm>>
      %dma_start3A_400 = tpu.memref_squeeze %dma_start3A_399 : memref<1x32xf32, #tpu.memory_space<hbm>> -> memref<32xf32, #tpu.memory_space<hbm>>
      %dma_start3A_401 = arith.constant 0 : i32
      %dma_start3A_402 = tpu.memref_slice %arg8[%add3A_394, %dma_start3A_401] : memref<512x32xf32, #tpu.memory_space<vmem>> -> memref<1x32xf32, #tpu.memory_space<vmem>>
      %dma_start3A_403 = tpu.memref_squeeze %dma_start3A_402 : memref<1x32xf32, #tpu.memory_space<vmem>> -> memref<32xf32, #tpu.memory_space<vmem>>
      %dma_start3A_404 = arith.constant 0 : i32
      %dma_start3A_405 = tpu.memref_slice %arg3[%squeeze3A_390, %dma_start3A_404] : memref<1000000x32xf32, #tpu.memory_space<hbm>> -> memref<1x32xf32, #tpu.memory_space<hbm>>
      %dma_start3A_406 = tpu.memref_squeeze %dma_start3A_405 : memref<1x32xf32, #tpu.memory_space<hbm>> -> memref<32xf32, #tpu.memory_space<hbm>>
      tpu.enqueue_dma source(%dma_start3A_406 : memref<32xf32, #tpu.memory_space<hbm>>) target(%dma_start3A_403 : memref<32xf32, #tpu.memory_space<vmem>>) target_semaphore(%arg11 : memref<!tpu.dma_semaphore, #tpu.memory_space<semaphore_mem>>)
      %slice3A_407 = vector.extract_strided_slice %get3A_211 {offsets = [11], sizes = [1], strides = [1]} : vector<16xi32> to vector<1xi32>
      %squeeze3A_408 = vector.extract %slice3A_407[0] : i32 from vector<1xi32>
      %mul3A_409 = arith.constant 16 : i32
      %mul3A_410 = arith.muli %add3A_207, %mul3A_409 : i32
      %add3A_411 = arith.constant 11 : i32
      %add3A_412 = arith.addi %mul3A_410, %add3A_411 : i32
      %dma_start3A_413 = arith.constant 0 : i32
      %dma_start3A_414 = tpu.memref_slice %arg8[%add3A_412, %dma_start3A_413] : memref<512x32xf32, #tpu.memory_space<vmem>> -> memref<1x32xf32, #tpu.memory_space<vmem>>
      %dma_start3A_415 = tpu.memref_squeeze %dma_start3A_414 : memref<1x32xf32, #tpu.memory_space<vmem>> -> memref<32xf32, #tpu.memory_space<vmem>>
      %dma_start3A_416 = arith.constant 0 : i32
      %dma_start3A_417 = tpu.memref_slice %arg3[%squeeze3A_408, %dma_start3A_416] : memref<1000000x32xf32, #tpu.memory_space<hbm>> -> memref<1x32xf32, #tpu.memory_space<hbm>>
      %dma_start3A_418 = tpu.memref_squeeze %dma_start3A_417 : memref<1x32xf32, #tpu.memory_space<hbm>> -> memref<32xf32, #tpu.memory_space<hbm>>
      %dma_start3A_419 = arith.constant 0 : i32
      %dma_start3A_420 = tpu.memref_slice %arg8[%add3A_412, %dma_start3A_419] : memref<512x32xf32, #tpu.memory_space<vmem>> -> memref<1x32xf32, #tpu.memory_space<vmem>>
      %dma_start3A_421 = tpu.memref_squeeze %dma_start3A_420 : memref<1x32xf32, #tpu.memory_space<vmem>> -> memref<32xf32, #tpu.memory_space<vmem>>
      %dma_start3A_422 = arith.constant 0 : i32
      %dma_start3A_423 = tpu.memref_slice %arg3[%squeeze3A_408, %dma_start3A_422] : memref<1000000x32xf32, #tpu.memory_space<hbm>> -> memref<1x32xf32, #tpu.memory_space<hbm>>
      %dma_start3A_424 = tpu.memref_squeeze %dma_start3A_423 : memref<1x32xf32, #tpu.memory_space<hbm>> -> memref<32xf32, #tpu.memory_space<hbm>>
      tpu.enqueue_dma source(%dma_start3A_424 : memref<32xf32, #tpu.memory_space<hbm>>) target(%dma_start3A_421 : memref<32xf32, #tpu.memory_space<vmem>>) target_semaphore(%arg12 : memref<!tpu.dma_semaphore, #tpu.memory_space<semaphore_mem>>)
      %slice3A_425 = vector.extract_strided_slice %get3A_211 {offsets = [12], sizes = [1], strides = [1]} : vector<16xi32> to vector<1xi32>
      %squeeze3A_426 = vector.extract %slice3A_425[0] : i32 from vector<1xi32>
      %mul3A_427 = arith.constant 16 : i32
      %mul3A_428 = arith.muli %add3A_207, %mul3A_427 : i32
      %add3A_429 = arith.constant 12 : i32
      %add3A_430 = arith.addi %mul3A_428, %add3A_429 : i32
      %dma_start3A_431 = arith.constant 0 : i32
      %dma_start3A_432 = tpu.memref_slice %arg8[%add3A_430, %dma_start3A_431] : memref<512x32xf32, #tpu.memory_space<vmem>> -> memref<1x32xf32, #tpu.memory_space<vmem>>
      %dma_start3A_433 = tpu.memref_squeeze %dma_start3A_432 : memref<1x32xf32, #tpu.memory_space<vmem>> -> memref<32xf32, #tpu.memory_space<vmem>>
      %dma_start3A_434 = arith.constant 0 : i32
      %dma_start3A_435 = tpu.memref_slice %arg3[%squeeze3A_426, %dma_start3A_434] : memref<1000000x32xf32, #tpu.memory_space<hbm>> -> memref<1x32xf32, #tpu.memory_space<hbm>>
      %dma_start3A_436 = tpu.memref_squeeze %dma_start3A_435 : memref<1x32xf32, #tpu.memory_space<hbm>> -> memref<32xf32, #tpu.memory_space<hbm>>
      %dma_start3A_437 = arith.constant 0 : i32
      %dma_start3A_438 = tpu.memref_slice %arg8[%add3A_430, %dma_start3A_437] : memref<512x32xf32, #tpu.memory_space<vmem>> -> memref<1x32xf32, #tpu.memory_space<vmem>>
      %dma_start3A_439 = tpu.memref_squeeze %dma_start3A_438 : memref<1x32xf32, #tpu.memory_space<vmem>> -> memref<32xf32, #tpu.memory_space<vmem>>
      %dma_start3A_440 = arith.constant 0 : i32
      %dma_start3A_441 = tpu.memref_slice %arg3[%squeeze3A_426, %dma_start3A_440] : memref<1000000x32xf32, #tpu.memory_space<hbm>> -> memref<1x32xf32, #tpu.memory_space<hbm>>
      %dma_start3A_442 = tpu.memref_squeeze %dma_start3A_441 : memref<1x32xf32, #tpu.memory_space<hbm>> -> memref<32xf32, #tpu.memory_space<hbm>>
      tpu.enqueue_dma source(%dma_start3A_442 : memref<32xf32, #tpu.memory_space<hbm>>) target(%dma_start3A_439 : memref<32xf32, #tpu.memory_space<vmem>>) target_semaphore(%arg13 : memref<!tpu.dma_semaphore, #tpu.memory_space<semaphore_mem>>)
      %slice3A_443 = vector.extract_strided_slice %get3A_211 {offsets = [13], sizes = [1], strides = [1]} : vector<16xi32> to vector<1xi32>
      %squeeze3A_444 = vector.extract %slice3A_443[0] : i32 from vector<1xi32>
      %mul3A_445 = arith.constant 16 : i32
      %mul3A_446 = arith.muli %add3A_207, %mul3A_445 : i32
      %add3A_447 = arith.constant 13 : i32
      %add3A_448 = arith.addi %mul3A_446, %add3A_447 : i32
      %dma_start3A_449 = arith.constant 0 : i32
      %dma_start3A_450 = tpu.memref_slice %arg8[%add3A_448, %dma_start3A_449] : memref<512x32xf32, #tpu.memory_space<vmem>> -> memref<1x32xf32, #tpu.memory_space<vmem>>
      %dma_start3A_451 = tpu.memref_squeeze %dma_start3A_450 : memref<1x32xf32, #tpu.memory_space<vmem>> -> memref<32xf32, #tpu.memory_space<vmem>>
      %dma_start3A_452 = arith.constant 0 : i32
      %dma_start3A_453 = tpu.memref_slice %arg3[%squeeze3A_444, %dma_start3A_452] : memref<1000000x32xf32, #tpu.memory_space<hbm>> -> memref<1x32xf32, #tpu.memory_space<hbm>>
      %dma_start3A_454 = tpu.memref_squeeze %dma_start3A_453 : memref<1x32xf32, #tpu.memory_space<hbm>> -> memref<32xf32, #tpu.memory_space<hbm>>
      %dma_start3A_455 = arith.constant 0 : i32
      %dma_start3A_456 = tpu.memref_slice %arg8[%add3A_448, %dma_start3A_455] : memref<512x32xf32, #tpu.memory_space<vmem>> -> memref<1x32xf32, #tpu.memory_space<vmem>>
      %dma_start3A_457 = tpu.memref_squeeze %dma_start3A_456 : memref<1x32xf32, #tpu.memory_space<vmem>> -> memref<32xf32, #tpu.memory_space<vmem>>
      %dma_start3A_458 = arith.constant 0 : i32
      %dma_start3A_459 = tpu.memref_slice %arg3[%squeeze3A_444, %dma_start3A_458] : memref<1000000x32xf32, #tpu.memory_space<hbm>> -> memref<1x32xf32, #tpu.memory_space<hbm>>
      %dma_start3A_460 = tpu.memref_squeeze %dma_start3A_459 : memref<1x32xf32, #tpu.memory_space<hbm>> -> memref<32xf32, #tpu.memory_space<hbm>>
      tpu.enqueue_dma source(%dma_start3A_460 : memref<32xf32, #tpu.memory_space<hbm>>) target(%dma_start3A_457 : memref<32xf32, #tpu.memory_space<vmem>>) target_semaphore(%arg14 : memref<!tpu.dma_semaphore, #tpu.memory_space<semaphore_mem>>)
      %slice3A_461 = vector.extract_strided_slice %get3A_211 {offsets = [14], sizes = [1], strides = [1]} : vector<16xi32> to vector<1xi32>
      %squeeze3A_462 = vector.extract %slice3A_461[0] : i32 from vector<1xi32>
      %mul3A_463 = arith.constant 16 : i32
      %mul3A_464 = arith.muli %add3A_207, %mul3A_463 : i32
      %add3A_465 = arith.constant 14 : i32
      %add3A_466 = arith.addi %mul3A_464, %add3A_465 : i32
      %dma_start3A_467 = arith.constant 0 : i32
      %dma_start3A_468 = tpu.memref_slice %arg8[%add3A_466, %dma_start3A_467] : memref<512x32xf32, #tpu.memory_space<vmem>> -> memref<1x32xf32, #tpu.memory_space<vmem>>
      %dma_start3A_469 = tpu.memref_squeeze %dma_start3A_468 : memref<1x32xf32, #tpu.memory_space<vmem>> -> memref<32xf32, #tpu.memory_space<vmem>>
      %dma_start3A_470 = arith.constant 0 : i32
      %dma_start3A_471 = tpu.memref_slice %arg3[%squeeze3A_462, %dma_start3A_470] : memref<1000000x32xf32, #tpu.memory_space<hbm>> -> memref<1x32xf32, #tpu.memory_space<hbm>>
      %dma_start3A_472 = tpu.memref_squeeze %dma_start3A_471 : memref<1x32xf32, #tpu.memory_space<hbm>> -> memref<32xf32, #tpu.memory_space<hbm>>
      %dma_start3A_473 = arith.constant 0 : i32
      %dma_start3A_474 = tpu.memref_slice %arg8[%add3A_466, %dma_start3A_473] : memref<512x32xf32, #tpu.memory_space<vmem>> -> memref<1x32xf32, #tpu.memory_space<vmem>>
      %dma_start3A_475 = tpu.memref_squeeze %dma_start3A_474 : memref<1x32xf32, #tpu.memory_space<vmem>> -> memref<32xf32, #tpu.memory_space<vmem>>
      %dma_start3A_476 = arith.constant 0 : i32
      %dma_start3A_477 = tpu.memref_slice %arg3[%squeeze3A_462, %dma_start3A_476] : memref<1000000x32xf32, #tpu.memory_space<hbm>> -> memref<1x32xf32, #tpu.memory_space<hbm>>
      %dma_start3A_478 = tpu.memref_squeeze %dma_start3A_477 : memref<1x32xf32, #tpu.memory_space<hbm>> -> memref<32xf32, #tpu.memory_space<hbm>>
      tpu.enqueue_dma source(%dma_start3A_478 : memref<32xf32, #tpu.memory_space<hbm>>) target(%dma_start3A_475 : memref<32xf32, #tpu.memory_space<vmem>>) target_semaphore(%arg15 : memref<!tpu.dma_semaphore, #tpu.memory_space<semaphore_mem>>)
      %slice3A_479 = vector.extract_strided_slice %get3A_211 {offsets = [15], sizes = [1], strides = [1]} : vector<16xi32> to vector<1xi32>
      %squeeze3A_480 = vector.extract %slice3A_479[0] : i32 from vector<1xi32>
      %mul3A_481 = arith.constant 16 : i32
      %mul3A_482 = arith.muli %add3A_207, %mul3A_481 : i32
      %add3A_483 = arith.constant 15 : i32
      %add3A_484 = arith.addi %mul3A_482, %add3A_483 : i32
      %dma_start3A_485 = arith.constant 0 : i32
      %dma_start3A_486 = tpu.memref_slice %arg8[%add3A_484, %dma_start3A_485] : memref<512x32xf32, #tpu.memory_space<vmem>> -> memref<1x32xf32, #tpu.memory_space<vmem>>
      %dma_start3A_487 = tpu.memref_squeeze %dma_start3A_486 : memref<1x32xf32, #tpu.memory_space<vmem>> -> memref<32xf32, #tpu.memory_space<vmem>>
      %dma_start3A_488 = arith.constant 0 : i32
      %dma_start3A_489 = tpu.memref_slice %arg3[%squeeze3A_480, %dma_start3A_488] : memref<1000000x32xf32, #tpu.memory_space<hbm>> -> memref<1x32xf32, #tpu.memory_space<hbm>>
      %dma_start3A_490 = tpu.memref_squeeze %dma_start3A_489 : memref<1x32xf32, #tpu.memory_space<hbm>> -> memref<32xf32, #tpu.memory_space<hbm>>
      %dma_start3A_491 = arith.constant 0 : i32
      %dma_start3A_492 = tpu.memref_slice %arg8[%add3A_484, %dma_start3A_491] : memref<512x32xf32, #tpu.memory_space<vmem>> -> memref<1x32xf32, #tpu.memory_space<vmem>>
      %dma_start3A_493 = tpu.memref_squeeze %dma_start3A_492 : memref<1x32xf32, #tpu.memory_space<vmem>> -> memref<32xf32, #tpu.memory_space<vmem>>
      %dma_start3A_494 = arith.constant 0 : i32
      %dma_start3A_495 = tpu.memref_slice %arg3[%squeeze3A_480, %dma_start3A_494] : memref<1000000x32xf32, #tpu.memory_space<hbm>> -> memref<1x32xf32, #tpu.memory_space<hbm>>
      %dma_start3A_496 = tpu.memref_squeeze %dma_start3A_495 : memref<1x32xf32, #tpu.memory_space<hbm>> -> memref<32xf32, #tpu.memory_space<hbm>>
      tpu.enqueue_dma source(%dma_start3A_496 : memref<32xf32, #tpu.memory_space<hbm>>) target(%dma_start3A_493 : memref<32xf32, #tpu.memory_space<vmem>>) target_semaphore(%arg16 : memref<!tpu.dma_semaphore, #tpu.memory_space<semaphore_mem>>)
    }
    %scan3A_6 = arith.constant 32 : i32
    %dma_wait3A = arith.constant 0 : i32
    %dma_wait3A_7 = arith.constant 0 : i32
    %dma_wait3A_8 = tpu.memref_slice %arg8[%dma_wait3A, %dma_wait3A_7] : memref<512x32xf32, #tpu.memory_space<vmem>> -> memref<64x32xf32, #tpu.memory_space<vmem>>
    %dma_wait3A_9 = arith.constant 0 : i32
    %dma_wait3A_10 = arith.constant 0 : i32
    %dma_wait3A_11 = tpu.memref_slice %arg3[%dma_wait3A_9, %dma_wait3A_10] : memref<1000000x32xf32, #tpu.memory_space<hbm>> -> memref<64x32xf32, #tpu.memory_space<hbm>>
    %dma_wait3A_12 = arith.constant 0 : i32
    %dma_wait3A_13 = arith.constant 0 : i32
    %dma_wait3A_14 = tpu.memref_slice %arg8[%dma_wait3A_12, %dma_wait3A_13] : memref<512x32xf32, #tpu.memory_space<vmem>> -> memref<64x32xf32, #tpu.memory_space<vmem>>
    %dma_wait3A_15 = arith.constant 0 : i32
    %dma_wait3A_16 = arith.constant 0 : i32
    %dma_wait3A_17 = tpu.memref_slice %arg3[%dma_wait3A_15, %dma_wait3A_16] : memref<1000000x32xf32, #tpu.memory_space<hbm>> -> memref<64x32xf32, #tpu.memory_space<hbm>>
    tpu.wait_dma2 semaphore(%arg9 : memref<!tpu.dma_semaphore, #tpu.memory_space<semaphore_mem>>) src(%dma_wait3A_17 : memref<64x32xf32, #tpu.memory_space<hbm>>) dst(%dma_wait3A_14 : memref<64x32xf32, #tpu.memory_space<vmem>>)
    %dma_wait3A_18 = arith.constant 0 : i32
    %dma_wait3A_19 = arith.constant 0 : i32
    %dma_wait3A_20 = tpu.memref_slice %arg8[%dma_wait3A_18, %dma_wait3A_19] : memref<512x32xf32, #tpu.memory_space<vmem>> -> memref<64x32xf32, #tpu.memory_space<vmem>>
    %dma_wait3A_21 = arith.constant 0 : i32
    %dma_wait3A_22 = arith.constant 0 : i32
    %dma_wait3A_23 = tpu.memref_slice %arg3[%dma_wait3A_21, %dma_wait3A_22] : memref<1000000x32xf32, #tpu.memory_space<hbm>> -> memref<64x32xf32, #tpu.memory_space<hbm>>
    %dma_wait3A_24 = arith.constant 0 : i32
    %dma_wait3A_25 = arith.constant 0 : i32
    %dma_wait3A_26 = tpu.memref_slice %arg8[%dma_wait3A_24, %dma_wait3A_25] : memref<512x32xf32, #tpu.memory_space<vmem>> -> memref<64x32xf32, #tpu.memory_space<vmem>>
    %dma_wait3A_27 = arith.constant 0 : i32
    %dma_wait3A_28 = arith.constant 0 : i32
    %dma_wait3A_29 = tpu.memref_slice %arg3[%dma_wait3A_27, %dma_wait3A_28] : memref<1000000x32xf32, #tpu.memory_space<hbm>> -> memref<64x32xf32, #tpu.memory_space<hbm>>
    tpu.wait_dma2 semaphore(%arg10 : memref<!tpu.dma_semaphore, #tpu.memory_space<semaphore_mem>>) src(%dma_wait3A_29 : memref<64x32xf32, #tpu.memory_space<hbm>>) dst(%dma_wait3A_26 : memref<64x32xf32, #tpu.memory_space<vmem>>)
    %dma_wait3A_30 = arith.constant 0 : i32
    %dma_wait3A_31 = arith.constant 0 : i32
    %dma_wait3A_32 = tpu.memref_slice %arg8[%dma_wait3A_30, %dma_wait3A_31] : memref<512x32xf32, #tpu.memory_space<vmem>> -> memref<64x32xf32, #tpu.memory_space<vmem>>
    %dma_wait3A_33 = arith.constant 0 : i32
    %dma_wait3A_34 = arith.constant 0 : i32
    %dma_wait3A_35 = tpu.memref_slice %arg3[%dma_wait3A_33, %dma_wait3A_34] : memref<1000000x32xf32, #tpu.memory_space<hbm>> -> memref<64x32xf32, #tpu.memory_space<hbm>>
    %dma_wait3A_36 = arith.constant 0 : i32
    %dma_wait3A_37 = arith.constant 0 : i32
    %dma_wait3A_38 = tpu.memref_slice %arg8[%dma_wait3A_36, %dma_wait3A_37] : memref<512x32xf32, #tpu.memory_space<vmem>> -> memref<64x32xf32, #tpu.memory_space<vmem>>
    %dma_wait3A_39 = arith.constant 0 : i32
    %dma_wait3A_40 = arith.constant 0 : i32
    %dma_wait3A_41 = tpu.memref_slice %arg3[%dma_wait3A_39, %dma_wait3A_40] : memref<1000000x32xf32, #tpu.memory_space<hbm>> -> memref<64x32xf32, #tpu.memory_space<hbm>>
    tpu.wait_dma2 semaphore(%arg11 : memref<!tpu.dma_semaphore, #tpu.memory_space<semaphore_mem>>) src(%dma_wait3A_41 : memref<64x32xf32, #tpu.memory_space<hbm>>) dst(%dma_wait3A_38 : memref<64x32xf32, #tpu.memory_space<vmem>>)
    %dma_wait3A_42 = arith.constant 0 : i32
    %dma_wait3A_43 = arith.constant 0 : i32
    %dma_wait3A_44 = tpu.memref_slice %arg8[%dma_wait3A_42, %dma_wait3A_43] : memref<512x32xf32, #tpu.memory_space<vmem>> -> memref<64x32xf32, #tpu.memory_space<vmem>>
    %dma_wait3A_45 = arith.constant 0 : i32
    %dma_wait3A_46 = arith.constant 0 : i32
    %dma_wait3A_47 = tpu.memref_slice %arg3[%dma_wait3A_45, %dma_wait3A_46] : memref<1000000x32xf32, #tpu.memory_space<hbm>> -> memref<64x32xf32, #tpu.memory_space<hbm>>
    %dma_wait3A_48 = arith.constant 0 : i32
    %dma_wait3A_49 = arith.constant 0 : i32
    %dma_wait3A_50 = tpu.memref_slice %arg8[%dma_wait3A_48, %dma_wait3A_49] : memref<512x32xf32, #tpu.memory_space<vmem>> -> memref<64x32xf32, #tpu.memory_space<vmem>>
    %dma_wait3A_51 = arith.constant 0 : i32
    %dma_wait3A_52 = arith.constant 0 : i32
    %dma_wait3A_53 = tpu.memref_slice %arg3[%dma_wait3A_51, %dma_wait3A_52] : memref<1000000x32xf32, #tpu.memory_space<hbm>> -> memref<64x32xf32, #tpu.memory_space<hbm>>
    tpu.wait_dma2 semaphore(%arg12 : memref<!tpu.dma_semaphore, #tpu.memory_space<semaphore_mem>>) src(%dma_wait3A_53 : memref<64x32xf32, #tpu.memory_space<hbm>>) dst(%dma_wait3A_50 : memref<64x32xf32, #tpu.memory_space<vmem>>)
    %dma_wait3A_54 = arith.constant 0 : i32
    %dma_wait3A_55 = arith.constant 0 : i32
    %dma_wait3A_56 = tpu.memref_slice %arg8[%dma_wait3A_54, %dma_wait3A_55] : memref<512x32xf32, #tpu.memory_space<vmem>> -> memref<64x32xf32, #tpu.memory_space<vmem>>
    %dma_wait3A_57 = arith.constant 0 : i32
    %dma_wait3A_58 = arith.constant 0 : i32
    %dma_wait3A_59 = tpu.memref_slice %arg3[%dma_wait3A_57, %dma_wait3A_58] : memref<1000000x32xf32, #tpu.memory_space<hbm>> -> memref<64x32xf32, #tpu.memory_space<hbm>>
    %dma_wait3A_60 = arith.constant 0 : i32
    %dma_wait3A_61 = arith.constant 0 : i32
    %dma_wait3A_62 = tpu.memref_slice %arg8[%dma_wait3A_60, %dma_wait3A_61] : memref<512x32xf32, #tpu.memory_space<vmem>> -> memref<64x32xf32, #tpu.memory_space<vmem>>
    %dma_wait3A_63 = arith.constant 0 : i32
    %dma_wait3A_64 = arith.constant 0 : i32
    %dma_wait3A_65 = tpu.memref_slice %arg3[%dma_wait3A_63, %dma_wait3A_64] : memref<1000000x32xf32, #tpu.memory_space<hbm>> -> memref<64x32xf32, #tpu.memory_space<hbm>>
    tpu.wait_dma2 semaphore(%arg13 : memref<!tpu.dma_semaphore, #tpu.memory_space<semaphore_mem>>) src(%dma_wait3A_65 : memref<64x32xf32, #tpu.memory_space<hbm>>) dst(%dma_wait3A_62 : memref<64x32xf32, #tpu.memory_space<vmem>>)
    %dma_wait3A_66 = arith.constant 0 : i32
    %dma_wait3A_67 = arith.constant 0 : i32
    %dma_wait3A_68 = tpu.memref_slice %arg8[%dma_wait3A_66, %dma_wait3A_67] : memref<512x32xf32, #tpu.memory_space<vmem>> -> memref<64x32xf32, #tpu.memory_space<vmem>>
    %dma_wait3A_69 = arith.constant 0 : i32
    %dma_wait3A_70 = arith.constant 0 : i32
    %dma_wait3A_71 = tpu.memref_slice %arg3[%dma_wait3A_69, %dma_wait3A_70] : memref<1000000x32xf32, #tpu.memory_space<hbm>> -> memref<64x32xf32, #tpu.memory_space<hbm>>
    %dma_wait3A_72 = arith.constant 0 : i32
    %dma_wait3A_73 = arith.constant 0 : i32
    %dma_wait3A_74 = tpu.memref_slice %arg8[%dma_wait3A_72, %dma_wait3A_73] : memref<512x32xf32, #tpu.memory_space<vmem>> -> memref<64x32xf32, #tpu.memory_space<vmem>>
    %dma_wait3A_75 = arith.constant 0 : i32
    %dma_wait3A_76 = arith.constant 0 : i32
    %dma_wait3A_77 = tpu.memref_slice %arg3[%dma_wait3A_75, %dma_wait3A_76] : memref<1000000x32xf32, #tpu.memory_space<hbm>> -> memref<64x32xf32, #tpu.memory_space<hbm>>
    tpu.wait_dma2 semaphore(%arg14 : memref<!tpu.dma_semaphore, #tpu.memory_space<semaphore_mem>>) src(%dma_wait3A_77 : memref<64x32xf32, #tpu.memory_space<hbm>>) dst(%dma_wait3A_74 : memref<64x32xf32, #tpu.memory_space<vmem>>)
    %dma_wait3A_78 = arith.constant 0 : i32
    %dma_wait3A_79 = arith.constant 0 : i32
    %dma_wait3A_80 = tpu.memref_slice %arg8[%dma_wait3A_78, %dma_wait3A_79] : memref<512x32xf32, #tpu.memory_space<vmem>> -> memref<64x32xf32, #tpu.memory_space<vmem>>
    %dma_wait3A_81 = arith.constant 0 : i32
    %dma_wait3A_82 = arith.constant 0 : i32
    %dma_wait3A_83 = tpu.memref_slice %arg3[%dma_wait3A_81, %dma_wait3A_82] : memref<1000000x32xf32, #tpu.memory_space<hbm>> -> memref<64x32xf32, #tpu.memory_space<hbm>>
    %dma_wait3A_84 = arith.constant 0 : i32
    %dma_wait3A_85 = arith.constant 0 : i32
    %dma_wait3A_86 = tpu.memref_slice %arg8[%dma_wait3A_84, %dma_wait3A_85] : memref<512x32xf32, #tpu.memory_space<vmem>> -> memref<64x32xf32, #tpu.memory_space<vmem>>
    %dma_wait3A_87 = arith.constant 0 : i32
    %dma_wait3A_88 = arith.constant 0 : i32
    %dma_wait3A_89 = tpu.memref_slice %arg3[%dma_wait3A_87, %dma_wait3A_88] : memref<1000000x32xf32, #tpu.memory_space<hbm>> -> memref<64x32xf32, #tpu.memory_space<hbm>>
    tpu.wait_dma2 semaphore(%arg15 : memref<!tpu.dma_semaphore, #tpu.memory_space<semaphore_mem>>) src(%dma_wait3A_89 : memref<64x32xf32, #tpu.memory_space<hbm>>) dst(%dma_wait3A_86 : memref<64x32xf32, #tpu.memory_space<vmem>>)
    %dma_wait3A_90 = arith.constant 0 : i32
    %dma_wait3A_91 = arith.constant 0 : i32
    %dma_wait3A_92 = tpu.memref_slice %arg8[%dma_wait3A_90, %dma_wait3A_91] : memref<512x32xf32, #tpu.memory_space<vmem>> -> memref<64x32xf32, #tpu.memory_space<vmem>>
    %dma_wait3A_93 = arith.constant 0 : i32
    %dma_wait3A_94 = arith.constant 0 : i32
    %dma_wait3A_95 = tpu.memref_slice %arg3[%dma_wait3A_93, %dma_wait3A_94] : memref<1000000x32xf32, #tpu.memory_space<hbm>> -> memref<64x32xf32, #tpu.memory_space<hbm>>
    %dma_wait3A_96 = arith.constant 0 : i32
    %dma_wait3A_97 = arith.constant 0 : i32
    %dma_wait3A_98 = tpu.memref_slice %arg8[%dma_wait3A_96, %dma_wait3A_97] : memref<512x32xf32, #tpu.memory_space<vmem>> -> memref<64x32xf32, #tpu.memory_space<vmem>>
    %dma_wait3A_99 = arith.constant 0 : i32
    %dma_wait3A_100 = arith.constant 0 : i32
    %dma_wait3A_101 = tpu.memref_slice %arg3[%dma_wait3A_99, %dma_wait3A_100] : memref<1000000x32xf32, #tpu.memory_space<hbm>> -> memref<64x32xf32, #tpu.memory_space<hbm>>
    tpu.wait_dma2 semaphore(%arg16 : memref<!tpu.dma_semaphore, #tpu.memory_space<semaphore_mem>>) src(%dma_wait3A_101 : memref<64x32xf32, #tpu.memory_space<hbm>>) dst(%dma_wait3A_98 : memref<64x32xf32, #tpu.memory_space<vmem>>)
    "tpu.region"() ({
      %run_scoped3A = tpu.sem_alloc : memref<!tpu.dma_semaphore, #tpu.memory_space<semaphore_mem>>
      %dma_start3A = arith.constant 0 : i32
      %dma_start3A_203 = tpu.memref_slice %arg5[%mul3A_2, %dma_start3A] : memref<16384x32xf32, #tpu.memory_space<hbm>> -> memref<512x32xf32, #tpu.memory_space<hbm>>
      %dma_start3A_204 = arith.constant 0 : i32
      %dma_start3A_205 = tpu.memref_slice %arg5[%mul3A_2, %dma_start3A_204] : memref<16384x32xf32, #tpu.memory_space<hbm>> -> memref<512x32xf32, #tpu.memory_space<hbm>>
      tpu.enqueue_dma source(%arg8 : memref<512x32xf32, #tpu.memory_space<vmem>>) target(%dma_start3A_205 : memref<512x32xf32, #tpu.memory_space<hbm>>) target_semaphore(%run_scoped3A : memref<!tpu.dma_semaphore, #tpu.memory_space<semaphore_mem>>)
      %dma_wait3A_206 = arith.constant 0 : i32
      %dma_wait3A_207 = tpu.memref_slice %arg5[%mul3A_2, %dma_wait3A_206] : memref<16384x32xf32, #tpu.memory_space<hbm>> -> memref<512x32xf32, #tpu.memory_space<hbm>>
      %dma_wait3A_208 = arith.constant 0 : i32
      %dma_wait3A_209 = tpu.memref_slice %arg5[%mul3A_2, %dma_wait3A_208] : memref<16384x32xf32, #tpu.memory_space<hbm>> -> memref<512x32xf32, #tpu.memory_space<hbm>>
      tpu.wait_dma2 semaphore(%run_scoped3A : memref<!tpu.dma_semaphore, #tpu.memory_space<semaphore_mem>>) src(%arg8 : memref<512x32xf32, #tpu.memory_space<vmem>>) dst(%dma_wait3A_209 : memref<512x32xf32, #tpu.memory_space<hbm>>)
      tpu.yield
    }) : () -> ()
    %scan3A_102 = arith.constant 0 : i32
    %scan3A_103 = arith.constant 32 : i32
    %scan3A_104 = arith.addi %scan3A_102, %scan3A_103 : i32
    %scan3A_105 = arith.constant 1 : i32
    scf.for %scan3A_203 = %scan3A_102 to %scan3A_104 step %scan3A_105  : i32 {
      %mul3A_204 = arith.constant 1 : i32
      %mul3A_205 = arith.muli %scan3A_203, %mul3A_204 : i32
      %add3A_206 = arith.constant 0 : i32
      %add3A_207 = arith.addi %add3A_206, %mul3A_205 : i32
      %mul3A_208 = arith.constant 16 : i32
      %mul3A_209 = arith.muli %add3A_207, %mul3A_208 : i32
      %get3A = arith.index_cast %mul3A_209 : i32 to index
      %get3A_210 = tpu.vector_load %arg7[%get3A] {strides = array<i32>} : memref<512xi32, #tpu.memory_space<vmem>>, vector<16xi32>,
      %get3A_211 = vector.shape_cast %get3A_210 : vector<16xi32> to vector<16xi32>
      %slice3A = vector.extract_strided_slice %get3A_211 {offsets = [0], sizes = [1], strides = [1]} : vector<16xi32> to vector<1xi32>
      %squeeze3A = vector.extract %slice3A[0] : i32 from vector<1xi32>
      %mul3A_212 = arith.constant 16 : i32
      %mul3A_213 = arith.muli %add3A_207, %mul3A_212 : i32
      %add3A_214 = arith.constant 0 : i32
      %add3A_215 = arith.addi %mul3A_213, %add3A_214 : i32
      %dma_start3A = arith.constant 0 : i32
      %dma_start3A_216 = tpu.memref_slice %arg8[%add3A_215, %dma_start3A] : memref<512x32xf32, #tpu.memory_space<vmem>> -> memref<1x32xf32, #tpu.memory_space<vmem>>
      %dma_start3A_217 = tpu.memref_squeeze %dma_start3A_216 : memref<1x32xf32, #tpu.memory_space<vmem>> -> memref<32xf32, #tpu.memory_space<vmem>>
      %dma_start3A_218 = arith.constant 0 : i32
      %dma_start3A_219 = tpu.memref_slice %arg4[%squeeze3A, %dma_start3A_218] : memref<1000000x32xf32, #tpu.memory_space<hbm>> -> memref<1x32xf32, #tpu.memory_space<hbm>>
      %dma_start3A_220 = tpu.memref_squeeze %dma_start3A_219 : memref<1x32xf32, #tpu.memory_space<hbm>> -> memref<32xf32, #tpu.memory_space<hbm>>
      %dma_start3A_221 = arith.constant 0 : i32
      %dma_start3A_222 = tpu.memref_slice %arg8[%add3A_215, %dma_start3A_221] : memref<512x32xf32, #tpu.memory_space<vmem>> -> memref<1x32xf32, #tpu.memory_space<vmem>>
      %dma_start3A_223 = tpu.memref_squeeze %dma_start3A_222 : memref<1x32xf32, #tpu.memory_space<vmem>> -> memref<32xf32, #tpu.memory_space<vmem>>
      %dma_start3A_224 = arith.constant 0 : i32
      %dma_start3A_225 = tpu.memref_slice %arg4[%squeeze3A, %dma_start3A_224] : memref<1000000x32xf32, #tpu.memory_space<hbm>> -> memref<1x32xf32, #tpu.memory_space<hbm>>
      %dma_start3A_226 = tpu.memref_squeeze %dma_start3A_225 : memref<1x32xf32, #tpu.memory_space<hbm>> -> memref<32xf32, #tpu.memory_space<hbm>>
      tpu.enqueue_dma source(%dma_start3A_226 : memref<32xf32, #tpu.memory_space<hbm>>) target(%dma_start3A_223 : memref<32xf32, #tpu.memory_space<vmem>>) target_semaphore(%arg9 : memref<!tpu.dma_semaphore, #tpu.memory_space<semaphore_mem>>)
      %slice3A_227 = vector.extract_strided_slice %get3A_211 {offsets = [1], sizes = [1], strides = [1]} : vector<16xi32> to vector<1xi32>
      %squeeze3A_228 = vector.extract %slice3A_227[0] : i32 from vector<1xi32>
      %mul3A_229 = arith.constant 16 : i32
      %mul3A_230 = arith.muli %add3A_207, %mul3A_229 : i32
      %add3A_231 = arith.constant 1 : i32
      %add3A_232 = arith.addi %mul3A_230, %add3A_231 : i32
      %dma_start3A_233 = arith.constant 0 : i32
      %dma_start3A_234 = tpu.memref_slice %arg8[%add3A_232, %dma_start3A_233] : memref<512x32xf32, #tpu.memory_space<vmem>> -> memref<1x32xf32, #tpu.memory_space<vmem>>
      %dma_start3A_235 = tpu.memref_squeeze %dma_start3A_234 : memref<1x32xf32, #tpu.memory_space<vmem>> -> memref<32xf32, #tpu.memory_space<vmem>>
      %dma_start3A_236 = arith.constant 0 : i32
      %dma_start3A_237 = tpu.memref_slice %arg4[%squeeze3A_228, %dma_start3A_236] : memref<1000000x32xf32, #tpu.memory_space<hbm>> -> memref<1x32xf32, #tpu.memory_space<hbm>>
      %dma_start3A_238 = tpu.memref_squeeze %dma_start3A_237 : memref<1x32xf32, #tpu.memory_space<hbm>> -> memref<32xf32, #tpu.memory_space<hbm>>
      %dma_start3A_239 = arith.constant 0 : i32
      %dma_start3A_240 = tpu.memref_slice %arg8[%add3A_232, %dma_start3A_239] : memref<512x32xf32, #tpu.memory_space<vmem>> -> memref<1x32xf32, #tpu.memory_space<vmem>>
      %dma_start3A_241 = tpu.memref_squeeze %dma_start3A_240 : memref<1x32xf32, #tpu.memory_space<vmem>> -> memref<32xf32, #tpu.memory_space<vmem>>
      %dma_start3A_242 = arith.constant 0 : i32
      %dma_start3A_243 = tpu.memref_slice %arg4[%squeeze3A_228, %dma_start3A_242] : memref<1000000x32xf32, #tpu.memory_space<hbm>> -> memref<1x32xf32, #tpu.memory_space<hbm>>
      %dma_start3A_244 = tpu.memref_squeeze %dma_start3A_243 : memref<1x32xf32, #tpu.memory_space<hbm>> -> memref<32xf32, #tpu.memory_space<hbm>>
      tpu.enqueue_dma source(%dma_start3A_244 : memref<32xf32, #tpu.memory_space<hbm>>) target(%dma_start3A_241 : memref<32xf32, #tpu.memory_space<vmem>>) target_semaphore(%arg10 : memref<!tpu.dma_semaphore, #tpu.memory_space<semaphore_mem>>)
      %slice3A_245 = vector.extract_strided_slice %get3A_211 {offsets = [2], sizes = [1], strides = [1]} : vector<16xi32> to vector<1xi32>
      %squeeze3A_246 = vector.extract %slice3A_245[0] : i32 from vector<1xi32>
      %mul3A_247 = arith.constant 16 : i32
      %mul3A_248 = arith.muli %add3A_207, %mul3A_247 : i32
      %add3A_249 = arith.constant 2 : i32
      %add3A_250 = arith.addi %mul3A_248, %add3A_249 : i32
      %dma_start3A_251 = arith.constant 0 : i32
      %dma_start3A_252 = tpu.memref_slice %arg8[%add3A_250, %dma_start3A_251] : memref<512x32xf32, #tpu.memory_space<vmem>> -> memref<1x32xf32, #tpu.memory_space<vmem>>
      %dma_start3A_253 = tpu.memref_squeeze %dma_start3A_252 : memref<1x32xf32, #tpu.memory_space<vmem>> -> memref<32xf32, #tpu.memory_space<vmem>>
      %dma_start3A_254 = arith.constant 0 : i32
      %dma_start3A_255 = tpu.memref_slice %arg4[%squeeze3A_246, %dma_start3A_254] : memref<1000000x32xf32, #tpu.memory_space<hbm>> -> memref<1x32xf32, #tpu.memory_space<hbm>>
      %dma_start3A_256 = tpu.memref_squeeze %dma_start3A_255 : memref<1x32xf32, #tpu.memory_space<hbm>> -> memref<32xf32, #tpu.memory_space<hbm>>
      %dma_start3A_257 = arith.constant 0 : i32
      %dma_start3A_258 = tpu.memref_slice %arg8[%add3A_250, %dma_start3A_257] : memref<512x32xf32, #tpu.memory_space<vmem>> -> memref<1x32xf32, #tpu.memory_space<vmem>>
      %dma_start3A_259 = tpu.memref_squeeze %dma_start3A_258 : memref<1x32xf32, #tpu.memory_space<vmem>> -> memref<32xf32, #tpu.memory_space<vmem>>
      %dma_start3A_260 = arith.constant 0 : i32
      %dma_start3A_261 = tpu.memref_slice %arg4[%squeeze3A_246, %dma_start3A_260] : memref<1000000x32xf32, #tpu.memory_space<hbm>> -> memref<1x32xf32, #tpu.memory_space<hbm>>
      %dma_start3A_262 = tpu.memref_squeeze %dma_start3A_261 : memref<1x32xf32, #tpu.memory_space<hbm>> -> memref<32xf32, #tpu.memory_space<hbm>>
      tpu.enqueue_dma source(%dma_start3A_262 : memref<32xf32, #tpu.memory_space<hbm>>) target(%dma_start3A_259 : memref<32xf32, #tpu.memory_space<vmem>>) target_semaphore(%arg11 : memref<!tpu.dma_semaphore, #tpu.memory_space<semaphore_mem>>)
      %slice3A_263 = vector.extract_strided_slice %get3A_211 {offsets = [3], sizes = [1], strides = [1]} : vector<16xi32> to vector<1xi32>
      %squeeze3A_264 = vector.extract %slice3A_263[0] : i32 from vector<1xi32>
      %mul3A_265 = arith.constant 16 : i32
      %mul3A_266 = arith.muli %add3A_207, %mul3A_265 : i32
      %add3A_267 = arith.constant 3 : i32
      %add3A_268 = arith.addi %mul3A_266, %add3A_267 : i32
      %dma_start3A_269 = arith.constant 0 : i32
      %dma_start3A_270 = tpu.memref_slice %arg8[%add3A_268, %dma_start3A_269] : memref<512x32xf32, #tpu.memory_space<vmem>> -> memref<1x32xf32, #tpu.memory_space<vmem>>
      %dma_start3A_271 = tpu.memref_squeeze %dma_start3A_270 : memref<1x32xf32, #tpu.memory_space<vmem>> -> memref<32xf32, #tpu.memory_space<vmem>>
      %dma_start3A_272 = arith.constant 0 : i32
      %dma_start3A_273 = tpu.memref_slice %arg4[%squeeze3A_264, %dma_start3A_272] : memref<1000000x32xf32, #tpu.memory_space<hbm>> -> memref<1x32xf32, #tpu.memory_space<hbm>>
      %dma_start3A_274 = tpu.memref_squeeze %dma_start3A_273 : memref<1x32xf32, #tpu.memory_space<hbm>> -> memref<32xf32, #tpu.memory_space<hbm>>
      %dma_start3A_275 = arith.constant 0 : i32
      %dma_start3A_276 = tpu.memref_slice %arg8[%add3A_268, %dma_start3A_275] : memref<512x32xf32, #tpu.memory_space<vmem>> -> memref<1x32xf32, #tpu.memory_space<vmem>>
      %dma_start3A_277 = tpu.memref_squeeze %dma_start3A_276 : memref<1x32xf32, #tpu.memory_space<vmem>> -> memref<32xf32, #tpu.memory_space<vmem>>
      %dma_start3A_278 = arith.constant 0 : i32
      %dma_start3A_279 = tpu.memref_slice %arg4[%squeeze3A_264, %dma_start3A_278] : memref<1000000x32xf32, #tpu.memory_space<hbm>> -> memref<1x32xf32, #tpu.memory_space<hbm>>
      %dma_start3A_280 = tpu.memref_squeeze %dma_start3A_279 : memref<1x32xf32, #tpu.memory_space<hbm>> -> memref<32xf32, #tpu.memory_space<hbm>>
      tpu.enqueue_dma source(%dma_start3A_280 : memref<32xf32, #tpu.memory_space<hbm>>) target(%dma_start3A_277 : memref<32xf32, #tpu.memory_space<vmem>>) target_semaphore(%arg12 : memref<!tpu.dma_semaphore, #tpu.memory_space<semaphore_mem>>)
      %slice3A_281 = vector.extract_strided_slice %get3A_211 {offsets = [4], sizes = [1], strides = [1]} : vector<16xi32> to vector<1xi32>
      %squeeze3A_282 = vector.extract %slice3A_281[0] : i32 from vector<1xi32>
      %mul3A_283 = arith.constant 16 : i32
      %mul3A_284 = arith.muli %add3A_207, %mul3A_283 : i32
      %add3A_285 = arith.constant 4 : i32
      %add3A_286 = arith.addi %mul3A_284, %add3A_285 : i32
      %dma_start3A_287 = arith.constant 0 : i32
      %dma_start3A_288 = tpu.memref_slice %arg8[%add3A_286, %dma_start3A_287] : memref<512x32xf32, #tpu.memory_space<vmem>> -> memref<1x32xf32, #tpu.memory_space<vmem>>
      %dma_start3A_289 = tpu.memref_squeeze %dma_start3A_288 : memref<1x32xf32, #tpu.memory_space<vmem>> -> memref<32xf32, #tpu.memory_space<vmem>>
      %dma_start3A_290 = arith.constant 0 : i32
      %dma_start3A_291 = tpu.memref_slice %arg4[%squeeze3A_282, %dma_start3A_290] : memref<1000000x32xf32, #tpu.memory_space<hbm>> -> memref<1x32xf32, #tpu.memory_space<hbm>>
      %dma_start3A_292 = tpu.memref_squeeze %dma_start3A_291 : memref<1x32xf32, #tpu.memory_space<hbm>> -> memref<32xf32, #tpu.memory_space<hbm>>
      %dma_start3A_293 = arith.constant 0 : i32
      %dma_start3A_294 = tpu.memref_slice %arg8[%add3A_286, %dma_start3A_293] : memref<512x32xf32, #tpu.memory_space<vmem>> -> memref<1x32xf32, #tpu.memory_space<vmem>>
      %dma_start3A_295 = tpu.memref_squeeze %dma_start3A_294 : memref<1x32xf32, #tpu.memory_space<vmem>> -> memref<32xf32, #tpu.memory_space<vmem>>
      %dma_start3A_296 = arith.constant 0 : i32
      %dma_start3A_297 = tpu.memref_slice %arg4[%squeeze3A_282, %dma_start3A_296] : memref<1000000x32xf32, #tpu.memory_space<hbm>> -> memref<1x32xf32, #tpu.memory_space<hbm>>
      %dma_start3A_298 = tpu.memref_squeeze %dma_start3A_297 : memref<1x32xf32, #tpu.memory_space<hbm>> -> memref<32xf32, #tpu.memory_space<hbm>>
      tpu.enqueue_dma source(%dma_start3A_298 : memref<32xf32, #tpu.memory_space<hbm>>) target(%dma_start3A_295 : memref<32xf32, #tpu.memory_space<vmem>>) target_semaphore(%arg13 : memref<!tpu.dma_semaphore, #tpu.memory_space<semaphore_mem>>)
      %slice3A_299 = vector.extract_strided_slice %get3A_211 {offsets = [5], sizes = [1], strides = [1]} : vector<16xi32> to vector<1xi32>
      %squeeze3A_300 = vector.extract %slice3A_299[0] : i32 from vector<1xi32>
      %mul3A_301 = arith.constant 16 : i32
      %mul3A_302 = arith.muli %add3A_207, %mul3A_301 : i32
      %add3A_303 = arith.constant 5 : i32
      %add3A_304 = arith.addi %mul3A_302, %add3A_303 : i32
      %dma_start3A_305 = arith.constant 0 : i32
      %dma_start3A_306 = tpu.memref_slice %arg8[%add3A_304, %dma_start3A_305] : memref<512x32xf32, #tpu.memory_space<vmem>> -> memref<1x32xf32, #tpu.memory_space<vmem>>
      %dma_start3A_307 = tpu.memref_squeeze %dma_start3A_306 : memref<1x32xf32, #tpu.memory_space<vmem>> -> memref<32xf32, #tpu.memory_space<vmem>>
      %dma_start3A_308 = arith.constant 0 : i32
      %dma_start3A_309 = tpu.memref_slice %arg4[%squeeze3A_300, %dma_start3A_308] : memref<1000000x32xf32, #tpu.memory_space<hbm>> -> memref<1x32xf32, #tpu.memory_space<hbm>>
      %dma_start3A_310 = tpu.memref_squeeze %dma_start3A_309 : memref<1x32xf32, #tpu.memory_space<hbm>> -> memref<32xf32, #tpu.memory_space<hbm>>
      %dma_start3A_311 = arith.constant 0 : i32
      %dma_start3A_312 = tpu.memref_slice %arg8[%add3A_304, %dma_start3A_311] : memref<512x32xf32, #tpu.memory_space<vmem>> -> memref<1x32xf32, #tpu.memory_space<vmem>>
      %dma_start3A_313 = tpu.memref_squeeze %dma_start3A_312 : memref<1x32xf32, #tpu.memory_space<vmem>> -> memref<32xf32, #tpu.memory_space<vmem>>
      %dma_start3A_314 = arith.constant 0 : i32
      %dma_start3A_315 = tpu.memref_slice %arg4[%squeeze3A_300, %dma_start3A_314] : memref<1000000x32xf32, #tpu.memory_space<hbm>> -> memref<1x32xf32, #tpu.memory_space<hbm>>
      %dma_start3A_316 = tpu.memref_squeeze %dma_start3A_315 : memref<1x32xf32, #tpu.memory_space<hbm>> -> memref<32xf32, #tpu.memory_space<hbm>>
      tpu.enqueue_dma source(%dma_start3A_316 : memref<32xf32, #tpu.memory_space<hbm>>) target(%dma_start3A_313 : memref<32xf32, #tpu.memory_space<vmem>>) target_semaphore(%arg14 : memref<!tpu.dma_semaphore, #tpu.memory_space<semaphore_mem>>)
      %slice3A_317 = vector.extract_strided_slice %get3A_211 {offsets = [6], sizes = [1], strides = [1]} : vector<16xi32> to vector<1xi32>
      %squeeze3A_318 = vector.extract %slice3A_317[0] : i32 from vector<1xi32>
      %mul3A_319 = arith.constant 16 : i32
      %mul3A_320 = arith.muli %add3A_207, %mul3A_319 : i32
      %add3A_321 = arith.constant 6 : i32
      %add3A_322 = arith.addi %mul3A_320, %add3A_321 : i32
      %dma_start3A_323 = arith.constant 0 : i32
      %dma_start3A_324 = tpu.memref_slice %arg8[%add3A_322, %dma_start3A_323] : memref<512x32xf32, #tpu.memory_space<vmem>> -> memref<1x32xf32, #tpu.memory_space<vmem>>
      %dma_start3A_325 = tpu.memref_squeeze %dma_start3A_324 : memref<1x32xf32, #tpu.memory_space<vmem>> -> memref<32xf32, #tpu.memory_space<vmem>>
      %dma_start3A_326 = arith.constant 0 : i32
      %dma_start3A_327 = tpu.memref_slice %arg4[%squeeze3A_318, %dma_start3A_326] : memref<1000000x32xf32, #tpu.memory_space<hbm>> -> memref<1x32xf32, #tpu.memory_space<hbm>>
      %dma_start3A_328 = tpu.memref_squeeze %dma_start3A_327 : memref<1x32xf32, #tpu.memory_space<hbm>> -> memref<32xf32, #tpu.memory_space<hbm>>
      %dma_start3A_329 = arith.constant 0 : i32
      %dma_start3A_330 = tpu.memref_slice %arg8[%add3A_322, %dma_start3A_329] : memref<512x32xf32, #tpu.memory_space<vmem>> -> memref<1x32xf32, #tpu.memory_space<vmem>>
      %dma_start3A_331 = tpu.memref_squeeze %dma_start3A_330 : memref<1x32xf32, #tpu.memory_space<vmem>> -> memref<32xf32, #tpu.memory_space<vmem>>
      %dma_start3A_332 = arith.constant 0 : i32
      %dma_start3A_333 = tpu.memref_slice %arg4[%squeeze3A_318, %dma_start3A_332] : memref<1000000x32xf32, #tpu.memory_space<hbm>> -> memref<1x32xf32, #tpu.memory_space<hbm>>
      %dma_start3A_334 = tpu.memref_squeeze %dma_start3A_333 : memref<1x32xf32, #tpu.memory_space<hbm>> -> memref<32xf32, #tpu.memory_space<hbm>>
      tpu.enqueue_dma source(%dma_start3A_334 : memref<32xf32, #tpu.memory_space<hbm>>) target(%dma_start3A_331 : memref<32xf32, #tpu.memory_space<vmem>>) target_semaphore(%arg15 : memref<!tpu.dma_semaphore, #tpu.memory_space<semaphore_mem>>)
      %slice3A_335 = vector.extract_strided_slice %get3A_211 {offsets = [7], sizes = [1], strides = [1]} : vector<16xi32> to vector<1xi32>
      %squeeze3A_336 = vector.extract %slice3A_335[0] : i32 from vector<1xi32>
      %mul3A_337 = arith.constant 16 : i32
      %mul3A_338 = arith.muli %add3A_207, %mul3A_337 : i32
      %add3A_339 = arith.constant 7 : i32
      %add3A_340 = arith.addi %mul3A_338, %add3A_339 : i32
      %dma_start3A_341 = arith.constant 0 : i32
      %dma_start3A_342 = tpu.memref_slice %arg8[%add3A_340, %dma_start3A_341] : memref<512x32xf32, #tpu.memory_space<vmem>> -> memref<1x32xf32, #tpu.memory_space<vmem>>
      %dma_start3A_343 = tpu.memref_squeeze %dma_start3A_342 : memref<1x32xf32, #tpu.memory_space<vmem>> -> memref<32xf32, #tpu.memory_space<vmem>>
      %dma_start3A_344 = arith.constant 0 : i32
      %dma_start3A_345 = tpu.memref_slice %arg4[%squeeze3A_336, %dma_start3A_344] : memref<1000000x32xf32, #tpu.memory_space<hbm>> -> memref<1x32xf32, #tpu.memory_space<hbm>>
      %dma_start3A_346 = tpu.memref_squeeze %dma_start3A_345 : memref<1x32xf32, #tpu.memory_space<hbm>> -> memref<32xf32, #tpu.memory_space<hbm>>
      %dma_start3A_347 = arith.constant 0 : i32
      %dma_start3A_348 = tpu.memref_slice %arg8[%add3A_340, %dma_start3A_347] : memref<512x32xf32, #tpu.memory_space<vmem>> -> memref<1x32xf32, #tpu.memory_space<vmem>>
      %dma_start3A_349 = tpu.memref_squeeze %dma_start3A_348 : memref<1x32xf32, #tpu.memory_space<vmem>> -> memref<32xf32, #tpu.memory_space<vmem>>
      %dma_start3A_350 = arith.constant 0 : i32
      %dma_start3A_351 = tpu.memref_slice %arg4[%squeeze3A_336, %dma_start3A_350] : memref<1000000x32xf32, #tpu.memory_space<hbm>> -> memref<1x32xf32, #tpu.memory_space<hbm>>
      %dma_start3A_352 = tpu.memref_squeeze %dma_start3A_351 : memref<1x32xf32, #tpu.memory_space<hbm>> -> memref<32xf32, #tpu.memory_space<hbm>>
      tpu.enqueue_dma source(%dma_start3A_352 : memref<32xf32, #tpu.memory_space<hbm>>) target(%dma_start3A_349 : memref<32xf32, #tpu.memory_space<vmem>>) target_semaphore(%arg16 : memref<!tpu.dma_semaphore, #tpu.memory_space<semaphore_mem>>)
      %slice3A_353 = vector.extract_strided_slice %get3A_211 {offsets = [8], sizes = [1], strides = [1]} : vector<16xi32> to vector<1xi32>
      %squeeze3A_354 = vector.extract %slice3A_353[0] : i32 from vector<1xi32>
      %mul3A_355 = arith.constant 16 : i32
      %mul3A_356 = arith.muli %add3A_207, %mul3A_355 : i32
      %add3A_357 = arith.constant 8 : i32
      %add3A_358 = arith.addi %mul3A_356, %add3A_357 : i32
      %dma_start3A_359 = arith.constant 0 : i32
      %dma_start3A_360 = tpu.memref_slice %arg8[%add3A_358, %dma_start3A_359] : memref<512x32xf32, #tpu.memory_space<vmem>> -> memref<1x32xf32, #tpu.memory_space<vmem>>
      %dma_start3A_361 = tpu.memref_squeeze %dma_start3A_360 : memref<1x32xf32, #tpu.memory_space<vmem>> -> memref<32xf32, #tpu.memory_space<vmem>>
      %dma_start3A_362 = arith.constant 0 : i32
      %dma_start3A_363 = tpu.memref_slice %arg4[%squeeze3A_354, %dma_start3A_362] : memref<1000000x32xf32, #tpu.memory_space<hbm>> -> memref<1x32xf32, #tpu.memory_space<hbm>>
      %dma_start3A_364 = tpu.memref_squeeze %dma_start3A_363 : memref<1x32xf32, #tpu.memory_space<hbm>> -> memref<32xf32, #tpu.memory_space<hbm>>
      %dma_start3A_365 = arith.constant 0 : i32
      %dma_start3A_366 = tpu.memref_slice %arg8[%add3A_358, %dma_start3A_365] : memref<512x32xf32, #tpu.memory_space<vmem>> -> memref<1x32xf32, #tpu.memory_space<vmem>>
      %dma_start3A_367 = tpu.memref_squeeze %dma_start3A_366 : memref<1x32xf32, #tpu.memory_space<vmem>> -> memref<32xf32, #tpu.memory_space<vmem>>
      %dma_start3A_368 = arith.constant 0 : i32
      %dma_start3A_369 = tpu.memref_slice %arg4[%squeeze3A_354, %dma_start3A_368] : memref<1000000x32xf32, #tpu.memory_space<hbm>> -> memref<1x32xf32, #tpu.memory_space<hbm>>
      %dma_start3A_370 = tpu.memref_squeeze %dma_start3A_369 : memref<1x32xf32, #tpu.memory_space<hbm>> -> memref<32xf32, #tpu.memory_space<hbm>>
      tpu.enqueue_dma source(%dma_start3A_370 : memref<32xf32, #tpu.memory_space<hbm>>) target(%dma_start3A_367 : memref<32xf32, #tpu.memory_space<vmem>>) target_semaphore(%arg9 : memref<!tpu.dma_semaphore, #tpu.memory_space<semaphore_mem>>)
      %slice3A_371 = vector.extract_strided_slice %get3A_211 {offsets = [9], sizes = [1], strides = [1]} : vector<16xi32> to vector<1xi32>
      %squeeze3A_372 = vector.extract %slice3A_371[0] : i32 from vector<1xi32>
      %mul3A_373 = arith.constant 16 : i32
      %mul3A_374 = arith.muli %add3A_207, %mul3A_373 : i32
      %add3A_375 = arith.constant 9 : i32
      %add3A_376 = arith.addi %mul3A_374, %add3A_375 : i32
      %dma_start3A_377 = arith.constant 0 : i32
      %dma_start3A_378 = tpu.memref_slice %arg8[%add3A_376, %dma_start3A_377] : memref<512x32xf32, #tpu.memory_space<vmem>> -> memref<1x32xf32, #tpu.memory_space<vmem>>
      %dma_start3A_379 = tpu.memref_squeeze %dma_start3A_378 : memref<1x32xf32, #tpu.memory_space<vmem>> -> memref<32xf32, #tpu.memory_space<vmem>>
      %dma_start3A_380 = arith.constant 0 : i32
      %dma_start3A_381 = tpu.memref_slice %arg4[%squeeze3A_372, %dma_start3A_380] : memref<1000000x32xf32, #tpu.memory_space<hbm>> -> memref<1x32xf32, #tpu.memory_space<hbm>>
      %dma_start3A_382 = tpu.memref_squeeze %dma_start3A_381 : memref<1x32xf32, #tpu.memory_space<hbm>> -> memref<32xf32, #tpu.memory_space<hbm>>
      %dma_start3A_383 = arith.constant 0 : i32
      %dma_start3A_384 = tpu.memref_slice %arg8[%add3A_376, %dma_start3A_383] : memref<512x32xf32, #tpu.memory_space<vmem>> -> memref<1x32xf32, #tpu.memory_space<vmem>>
      %dma_start3A_385 = tpu.memref_squeeze %dma_start3A_384 : memref<1x32xf32, #tpu.memory_space<vmem>> -> memref<32xf32, #tpu.memory_space<vmem>>
      %dma_start3A_386 = arith.constant 0 : i32
      %dma_start3A_387 = tpu.memref_slice %arg4[%squeeze3A_372, %dma_start3A_386] : memref<1000000x32xf32, #tpu.memory_space<hbm>> -> memref<1x32xf32, #tpu.memory_space<hbm>>
      %dma_start3A_388 = tpu.memref_squeeze %dma_start3A_387 : memref<1x32xf32, #tpu.memory_space<hbm>> -> memref<32xf32, #tpu.memory_space<hbm>>
      tpu.enqueue_dma source(%dma_start3A_388 : memref<32xf32, #tpu.memory_space<hbm>>) target(%dma_start3A_385 : memref<32xf32, #tpu.memory_space<vmem>>) target_semaphore(%arg10 : memref<!tpu.dma_semaphore, #tpu.memory_space<semaphore_mem>>)
      %slice3A_389 = vector.extract_strided_slice %get3A_211 {offsets = [10], sizes = [1], strides = [1]} : vector<16xi32> to vector<1xi32>
      %squeeze3A_390 = vector.extract %slice3A_389[0] : i32 from vector<1xi32>
      %mul3A_391 = arith.constant 16 : i32
      %mul3A_392 = arith.muli %add3A_207, %mul3A_391 : i32
      %add3A_393 = arith.constant 10 : i32
      %add3A_394 = arith.addi %mul3A_392, %add3A_393 : i32
      %dma_start3A_395 = arith.constant 0 : i32
      %dma_start3A_396 = tpu.memref_slice %arg8[%add3A_394, %dma_start3A_395] : memref<512x32xf32, #tpu.memory_space<vmem>> -> memref<1x32xf32, #tpu.memory_space<vmem>>
      %dma_start3A_397 = tpu.memref_squeeze %dma_start3A_396 : memref<1x32xf32, #tpu.memory_space<vmem>> -> memref<32xf32, #tpu.memory_space<vmem>>
      %dma_start3A_398 = arith.constant 0 : i32
      %dma_start3A_399 = tpu.memref_slice %arg4[%squeeze3A_390, %dma_start3A_398] : memref<1000000x32xf32, #tpu.memory_space<hbm>> -> memref<1x32xf32, #tpu.memory_space<hbm>>
      %dma_start3A_400 = tpu.memref_squeeze %dma_start3A_399 : memref<1x32xf32, #tpu.memory_space<hbm>> -> memref<32xf32, #tpu.memory_space<hbm>>
      %dma_start3A_401 = arith.constant 0 : i32
      %dma_start3A_402 = tpu.memref_slice %arg8[%add3A_394, %dma_start3A_401] : memref<512x32xf32, #tpu.memory_space<vmem>> -> memref<1x32xf32, #tpu.memory_space<vmem>>
      %dma_start3A_403 = tpu.memref_squeeze %dma_start3A_402 : memref<1x32xf32, #tpu.memory_space<vmem>> -> memref<32xf32, #tpu.memory_space<vmem>>
      %dma_start3A_404 = arith.constant 0 : i32
      %dma_start3A_405 = tpu.memref_slice %arg4[%squeeze3A_390, %dma_start3A_404] : memref<1000000x32xf32, #tpu.memory_space<hbm>> -> memref<1x32xf32, #tpu.memory_space<hbm>>
      %dma_start3A_406 = tpu.memref_squeeze %dma_start3A_405 : memref<1x32xf32, #tpu.memory_space<hbm>> -> memref<32xf32, #tpu.memory_space<hbm>>
      tpu.enqueue_dma source(%dma_start3A_406 : memref<32xf32, #tpu.memory_space<hbm>>) target(%dma_start3A_403 : memref<32xf32, #tpu.memory_space<vmem>>) target_semaphore(%arg11 : memref<!tpu.dma_semaphore, #tpu.memory_space<semaphore_mem>>)
      %slice3A_407 = vector.extract_strided_slice %get3A_211 {offsets = [11], sizes = [1], strides = [1]} : vector<16xi32> to vector<1xi32>
      %squeeze3A_408 = vector.extract %slice3A_407[0] : i32 from vector<1xi32>
      %mul3A_409 = arith.constant 16 : i32
      %mul3A_410 = arith.muli %add3A_207, %mul3A_409 : i32
      %add3A_411 = arith.constant 11 : i32
      %add3A_412 = arith.addi %mul3A_410, %add3A_411 : i32
      %dma_start3A_413 = arith.constant 0 : i32
      %dma_start3A_414 = tpu.memref_slice %arg8[%add3A_412, %dma_start3A_413] : memref<512x32xf32, #tpu.memory_space<vmem>> -> memref<1x32xf32, #tpu.memory_space<vmem>>
      %dma_start3A_415 = tpu.memref_squeeze %dma_start3A_414 : memref<1x32xf32, #tpu.memory_space<vmem>> -> memref<32xf32, #tpu.memory_space<vmem>>
      %dma_start3A_416 = arith.constant 0 : i32
      %dma_start3A_417 = tpu.memref_slice %arg4[%squeeze3A_408, %dma_start3A_416] : memref<1000000x32xf32, #tpu.memory_space<hbm>> -> memref<1x32xf32, #tpu.memory_space<hbm>>
      %dma_start3A_418 = tpu.memref_squeeze %dma_start3A_417 : memref<1x32xf32, #tpu.memory_space<hbm>> -> memref<32xf32, #tpu.memory_space<hbm>>
      %dma_start3A_419 = arith.constant 0 : i32
      %dma_start3A_420 = tpu.memref_slice %arg8[%add3A_412, %dma_start3A_419] : memref<512x32xf32, #tpu.memory_space<vmem>> -> memref<1x32xf32, #tpu.memory_space<vmem>>
      %dma_start3A_421 = tpu.memref_squeeze %dma_start3A_420 : memref<1x32xf32, #tpu.memory_space<vmem>> -> memref<32xf32, #tpu.memory_space<vmem>>
      %dma_start3A_422 = arith.constant 0 : i32
      %dma_start3A_423 = tpu.memref_slice %arg4[%squeeze3A_408, %dma_start3A_422] : memref<1000000x32xf32, #tpu.memory_space<hbm>> -> memref<1x32xf32, #tpu.memory_space<hbm>>
      %dma_start3A_424 = tpu.memref_squeeze %dma_start3A_423 : memref<1x32xf32, #tpu.memory_space<hbm>> -> memref<32xf32, #tpu.memory_space<hbm>>
      tpu.enqueue_dma source(%dma_start3A_424 : memref<32xf32, #tpu.memory_space<hbm>>) target(%dma_start3A_421 : memref<32xf32, #tpu.memory_space<vmem>>) target_semaphore(%arg12 : memref<!tpu.dma_semaphore, #tpu.memory_space<semaphore_mem>>)
      %slice3A_425 = vector.extract_strided_slice %get3A_211 {offsets = [12], sizes = [1], strides = [1]} : vector<16xi32> to vector<1xi32>
      %squeeze3A_426 = vector.extract %slice3A_425[0] : i32 from vector<1xi32>
      %mul3A_427 = arith.constant 16 : i32
      %mul3A_428 = arith.muli %add3A_207, %mul3A_427 : i32
      %add3A_429 = arith.constant 12 : i32
      %add3A_430 = arith.addi %mul3A_428, %add3A_429 : i32
      %dma_start3A_431 = arith.constant 0 : i32
      %dma_start3A_432 = tpu.memref_slice %arg8[%add3A_430, %dma_start3A_431] : memref<512x32xf32, #tpu.memory_space<vmem>> -> memref<1x32xf32, #tpu.memory_space<vmem>>
      %dma_start3A_433 = tpu.memref_squeeze %dma_start3A_432 : memref<1x32xf32, #tpu.memory_space<vmem>> -> memref<32xf32, #tpu.memory_space<vmem>>
      %dma_start3A_434 = arith.constant 0 : i32
      %dma_start3A_435 = tpu.memref_slice %arg4[%squeeze3A_426, %dma_start3A_434] : memref<1000000x32xf32, #tpu.memory_space<hbm>> -> memref<1x32xf32, #tpu.memory_space<hbm>>
      %dma_start3A_436 = tpu.memref_squeeze %dma_start3A_435 : memref<1x32xf32, #tpu.memory_space<hbm>> -> memref<32xf32, #tpu.memory_space<hbm>>
      %dma_start3A_437 = arith.constant 0 : i32
      %dma_start3A_438 = tpu.memref_slice %arg8[%add3A_430, %dma_start3A_437] : memref<512x32xf32, #tpu.memory_space<vmem>> -> memref<1x32xf32, #tpu.memory_space<vmem>>
      %dma_start3A_439 = tpu.memref_squeeze %dma_start3A_438 : memref<1x32xf32, #tpu.memory_space<vmem>> -> memref<32xf32, #tpu.memory_space<vmem>>
      %dma_start3A_440 = arith.constant 0 : i32
      %dma_start3A_441 = tpu.memref_slice %arg4[%squeeze3A_426, %dma_start3A_440] : memref<1000000x32xf32, #tpu.memory_space<hbm>> -> memref<1x32xf32, #tpu.memory_space<hbm>>
      %dma_start3A_442 = tpu.memref_squeeze %dma_start3A_441 : memref<1x32xf32, #tpu.memory_space<hbm>> -> memref<32xf32, #tpu.memory_space<hbm>>
      tpu.enqueue_dma source(%dma_start3A_442 : memref<32xf32, #tpu.memory_space<hbm>>) target(%dma_start3A_439 : memref<32xf32, #tpu.memory_space<vmem>>) target_semaphore(%arg13 : memref<!tpu.dma_semaphore, #tpu.memory_space<semaphore_mem>>)
      %slice3A_443 = vector.extract_strided_slice %get3A_211 {offsets = [13], sizes = [1], strides = [1]} : vector<16xi32> to vector<1xi32>
      %squeeze3A_444 = vector.extract %slice3A_443[0] : i32 from vector<1xi32>
      %mul3A_445 = arith.constant 16 : i32
      %mul3A_446 = arith.muli %add3A_207, %mul3A_445 : i32
      %add3A_447 = arith.constant 13 : i32
      %add3A_448 = arith.addi %mul3A_446, %add3A_447 : i32
      %dma_start3A_449 = arith.constant 0 : i32
      %dma_start3A_450 = tpu.memref_slice %arg8[%add3A_448, %dma_start3A_449] : memref<512x32xf32, #tpu.memory_space<vmem>> -> memref<1x32xf32, #tpu.memory_space<vmem>>
      %dma_start3A_451 = tpu.memref_squeeze %dma_start3A_450 : memref<1x32xf32, #tpu.memory_space<vmem>> -> memref<32xf32, #tpu.memory_space<vmem>>
      %dma_start3A_452 = arith.constant 0 : i32
      %dma_start3A_453 = tpu.memref_slice %arg4[%squeeze3A_444, %dma_start3A_452] : memref<1000000x32xf32, #tpu.memory_space<hbm>> -> memref<1x32xf32, #tpu.memory_space<hbm>>
      %dma_start3A_454 = tpu.memref_squeeze %dma_start3A_453 : memref<1x32xf32, #tpu.memory_space<hbm>> -> memref<32xf32, #tpu.memory_space<hbm>>
      %dma_start3A_455 = arith.constant 0 : i32
      %dma_start3A_456 = tpu.memref_slice %arg8[%add3A_448, %dma_start3A_455] : memref<512x32xf32, #tpu.memory_space<vmem>> -> memref<1x32xf32, #tpu.memory_space<vmem>>
      %dma_start3A_457 = tpu.memref_squeeze %dma_start3A_456 : memref<1x32xf32, #tpu.memory_space<vmem>> -> memref<32xf32, #tpu.memory_space<vmem>>
      %dma_start3A_458 = arith.constant 0 : i32
      %dma_start3A_459 = tpu.memref_slice %arg4[%squeeze3A_444, %dma_start3A_458] : memref<1000000x32xf32, #tpu.memory_space<hbm>> -> memref<1x32xf32, #tpu.memory_space<hbm>>
      %dma_start3A_460 = tpu.memref_squeeze %dma_start3A_459 : memref<1x32xf32, #tpu.memory_space<hbm>> -> memref<32xf32, #tpu.memory_space<hbm>>
      tpu.enqueue_dma source(%dma_start3A_460 : memref<32xf32, #tpu.memory_space<hbm>>) target(%dma_start3A_457 : memref<32xf32, #tpu.memory_space<vmem>>) target_semaphore(%arg14 : memref<!tpu.dma_semaphore, #tpu.memory_space<semaphore_mem>>)
      %slice3A_461 = vector.extract_strided_slice %get3A_211 {offsets = [14], sizes = [1], strides = [1]} : vector<16xi32> to vector<1xi32>
      %squeeze3A_462 = vector.extract %slice3A_461[0] : i32 from vector<1xi32>
      %mul3A_463 = arith.constant 16 : i32
      %mul3A_464 = arith.muli %add3A_207, %mul3A_463 : i32
      %add3A_465 = arith.constant 14 : i32
      %add3A_466 = arith.addi %mul3A_464, %add3A_465 : i32
      %dma_start3A_467 = arith.constant 0 : i32
      %dma_start3A_468 = tpu.memref_slice %arg8[%add3A_466, %dma_start3A_467] : memref<512x32xf32, #tpu.memory_space<vmem>> -> memref<1x32xf32, #tpu.memory_space<vmem>>
      %dma_start3A_469 = tpu.memref_squeeze %dma_start3A_468 : memref<1x32xf32, #tpu.memory_space<vmem>> -> memref<32xf32, #tpu.memory_space<vmem>>
      %dma_start3A_470 = arith.constant 0 : i32
      %dma_start3A_471 = tpu.memref_slice %arg4[%squeeze3A_462, %dma_start3A_470] : memref<1000000x32xf32, #tpu.memory_space<hbm>> -> memref<1x32xf32, #tpu.memory_space<hbm>>
      %dma_start3A_472 = tpu.memref_squeeze %dma_start3A_471 : memref<1x32xf32, #tpu.memory_space<hbm>> -> memref<32xf32, #tpu.memory_space<hbm>>
      %dma_start3A_473 = arith.constant 0 : i32
      %dma_start3A_474 = tpu.memref_slice %arg8[%add3A_466, %dma_start3A_473] : memref<512x32xf32, #tpu.memory_space<vmem>> -> memref<1x32xf32, #tpu.memory_space<vmem>>
      %dma_start3A_475 = tpu.memref_squeeze %dma_start3A_474 : memref<1x32xf32, #tpu.memory_space<vmem>> -> memref<32xf32, #tpu.memory_space<vmem>>
      %dma_start3A_476 = arith.constant 0 : i32
      %dma_start3A_477 = tpu.memref_slice %arg4[%squeeze3A_462, %dma_start3A_476] : memref<1000000x32xf32, #tpu.memory_space<hbm>> -> memref<1x32xf32, #tpu.memory_space<hbm>>
      %dma_start3A_478 = tpu.memref_squeeze %dma_start3A_477 : memref<1x32xf32, #tpu.memory_space<hbm>> -> memref<32xf32, #tpu.memory_space<hbm>>
      tpu.enqueue_dma source(%dma_start3A_478 : memref<32xf32, #tpu.memory_space<hbm>>) target(%dma_start3A_475 : memref<32xf32, #tpu.memory_space<vmem>>) target_semaphore(%arg15 : memref<!tpu.dma_semaphore, #tpu.memory_space<semaphore_mem>>)
      %slice3A_479 = vector.extract_strided_slice %get3A_211 {offsets = [15], sizes = [1], strides = [1]} : vector<16xi32> to vector<1xi32>
      %squeeze3A_480 = vector.extract %slice3A_479[0] : i32 from vector<1xi32>
      %mul3A_481 = arith.constant 16 : i32
      %mul3A_482 = arith.muli %add3A_207, %mul3A_481 : i32
      %add3A_483 = arith.constant 15 : i32
      %add3A_484 = arith.addi %mul3A_482, %add3A_483 : i32
      %dma_start3A_485 = arith.constant 0 : i32
      %dma_start3A_486 = tpu.memref_slice %arg8[%add3A_484, %dma_start3A_485] : memref<512x32xf32, #tpu.memory_space<vmem>> -> memref<1x32xf32, #tpu.memory_space<vmem>>
      %dma_start3A_487 = tpu.memref_squeeze %dma_start3A_486 : memref<1x32xf32, #tpu.memory_space<vmem>> -> memref<32xf32, #tpu.memory_space<vmem>>
      %dma_start3A_488 = arith.constant 0 : i32
      %dma_start3A_489 = tpu.memref_slice %arg4[%squeeze3A_480, %dma_start3A_488] : memref<1000000x32xf32, #tpu.memory_space<hbm>> -> memref<1x32xf32, #tpu.memory_space<hbm>>
      %dma_start3A_490 = tpu.memref_squeeze %dma_start3A_489 : memref<1x32xf32, #tpu.memory_space<hbm>> -> memref<32xf32, #tpu.memory_space<hbm>>
      %dma_start3A_491 = arith.constant 0 : i32
      %dma_start3A_492 = tpu.memref_slice %arg8[%add3A_484, %dma_start3A_491] : memref<512x32xf32, #tpu.memory_space<vmem>> -> memref<1x32xf32, #tpu.memory_space<vmem>>
      %dma_start3A_493 = tpu.memref_squeeze %dma_start3A_492 : memref<1x32xf32, #tpu.memory_space<vmem>> -> memref<32xf32, #tpu.memory_space<vmem>>
      %dma_start3A_494 = arith.constant 0 : i32
      %dma_start3A_495 = tpu.memref_slice %arg4[%squeeze3A_480, %dma_start3A_494] : memref<1000000x32xf32, #tpu.memory_space<hbm>> -> memref<1x32xf32, #tpu.memory_space<hbm>>
      %dma_start3A_496 = tpu.memref_squeeze %dma_start3A_495 : memref<1x32xf32, #tpu.memory_space<hbm>> -> memref<32xf32, #tpu.memory_space<hbm>>
      tpu.enqueue_dma source(%dma_start3A_496 : memref<32xf32, #tpu.memory_space<hbm>>) target(%dma_start3A_493 : memref<32xf32, #tpu.memory_space<vmem>>) target_semaphore(%arg16 : memref<!tpu.dma_semaphore, #tpu.memory_space<semaphore_mem>>)
    }
    %scan3A_106 = arith.constant 32 : i32
    %dma_wait3A_107 = arith.constant 0 : i32
    %dma_wait3A_108 = arith.constant 0 : i32
    %dma_wait3A_109 = tpu.memref_slice %arg8[%dma_wait3A_107, %dma_wait3A_108] : memref<512x32xf32, #tpu.memory_space<vmem>> -> memref<64x32xf32, #tpu.memory_space<vmem>>
    %dma_wait3A_110 = arith.constant 0 : i32
    %dma_wait3A_111 = arith.constant 0 : i32
    %dma_wait3A_112 = tpu.memref_slice %arg4[%dma_wait3A_110, %dma_wait3A_111] : memref<1000000x32xf32, #tpu.memory_space<hbm>> -> memref<64x32xf32, #tpu.memory_space<hbm>>
    %dma_wait3A_113 = arith.constant 0 : i32
    %dma_wait3A_114 = arith.constant 0 : i32
    %dma_wait3A_115 = tpu.memref_slice %arg8[%dma_wait3A_113, %dma_wait3A_114] : memref<512x32xf32, #tpu.memory_space<vmem>> -> memref<64x32xf32, #tpu.memory_space<vmem>>
    %dma_wait3A_116 = arith.constant 0 : i32
    %dma_wait3A_117 = arith.constant 0 : i32
    %dma_wait3A_118 = tpu.memref_slice %arg4[%dma_wait3A_116, %dma_wait3A_117] : memref<1000000x32xf32, #tpu.memory_space<hbm>> -> memref<64x32xf32, #tpu.memory_space<hbm>>
    tpu.wait_dma2 semaphore(%arg9 : memref<!tpu.dma_semaphore, #tpu.memory_space<semaphore_mem>>) src(%dma_wait3A_118 : memref<64x32xf32, #tpu.memory_space<hbm>>) dst(%dma_wait3A_115 : memref<64x32xf32, #tpu.memory_space<vmem>>)
    %dma_wait3A_119 = arith.constant 0 : i32
    %dma_wait3A_120 = arith.constant 0 : i32
    %dma_wait3A_121 = tpu.memref_slice %arg8[%dma_wait3A_119, %dma_wait3A_120] : memref<512x32xf32, #tpu.memory_space<vmem>> -> memref<64x32xf32, #tpu.memory_space<vmem>>
    %dma_wait3A_122 = arith.constant 0 : i32
    %dma_wait3A_123 = arith.constant 0 : i32
    %dma_wait3A_124 = tpu.memref_slice %arg4[%dma_wait3A_122, %dma_wait3A_123] : memref<1000000x32xf32, #tpu.memory_space<hbm>> -> memref<64x32xf32, #tpu.memory_space<hbm>>
    %dma_wait3A_125 = arith.constant 0 : i32
    %dma_wait3A_126 = arith.constant 0 : i32
    %dma_wait3A_127 = tpu.memref_slice %arg8[%dma_wait3A_125, %dma_wait3A_126] : memref<512x32xf32, #tpu.memory_space<vmem>> -> memref<64x32xf32, #tpu.memory_space<vmem>>
    %dma_wait3A_128 = arith.constant 0 : i32
    %dma_wait3A_129 = arith.constant 0 : i32
    %dma_wait3A_130 = tpu.memref_slice %arg4[%dma_wait3A_128, %dma_wait3A_129] : memref<1000000x32xf32, #tpu.memory_space<hbm>> -> memref<64x32xf32, #tpu.memory_space<hbm>>
    tpu.wait_dma2 semaphore(%arg10 : memref<!tpu.dma_semaphore, #tpu.memory_space<semaphore_mem>>) src(%dma_wait3A_130 : memref<64x32xf32, #tpu.memory_space<hbm>>) dst(%dma_wait3A_127 : memref<64x32xf32, #tpu.memory_space<vmem>>)
    %dma_wait3A_131 = arith.constant 0 : i32
    %dma_wait3A_132 = arith.constant 0 : i32
    %dma_wait3A_133 = tpu.memref_slice %arg8[%dma_wait3A_131, %dma_wait3A_132] : memref<512x32xf32, #tpu.memory_space<vmem>> -> memref<64x32xf32, #tpu.memory_space<vmem>>
    %dma_wait3A_134 = arith.constant 0 : i32
    %dma_wait3A_135 = arith.constant 0 : i32
    %dma_wait3A_136 = tpu.memref_slice %arg4[%dma_wait3A_134, %dma_wait3A_135] : memref<1000000x32xf32, #tpu.memory_space<hbm>> -> memref<64x32xf32, #tpu.memory_space<hbm>>
    %dma_wait3A_137 = arith.constant 0 : i32
    %dma_wait3A_138 = arith.constant 0 : i32
    %dma_wait3A_139 = tpu.memref_slice %arg8[%dma_wait3A_137, %dma_wait3A_138] : memref<512x32xf32, #tpu.memory_space<vmem>> -> memref<64x32xf32, #tpu.memory_space<vmem>>
    %dma_wait3A_140 = arith.constant 0 : i32
    %dma_wait3A_141 = arith.constant 0 : i32
    %dma_wait3A_142 = tpu.memref_slice %arg4[%dma_wait3A_140, %dma_wait3A_141] : memref<1000000x32xf32, #tpu.memory_space<hbm>> -> memref<64x32xf32, #tpu.memory_space<hbm>>
    tpu.wait_dma2 semaphore(%arg11 : memref<!tpu.dma_semaphore, #tpu.memory_space<semaphore_mem>>) src(%dma_wait3A_142 : memref<64x32xf32, #tpu.memory_space<hbm>>) dst(%dma_wait3A_139 : memref<64x32xf32, #tpu.memory_space<vmem>>)
    %dma_wait3A_143 = arith.constant 0 : i32
    %dma_wait3A_144 = arith.constant 0 : i32
    %dma_wait3A_145 = tpu.memref_slice %arg8[%dma_wait3A_143, %dma_wait3A_144] : memref<512x32xf32, #tpu.memory_space<vmem>> -> memref<64x32xf32, #tpu.memory_space<vmem>>
    %dma_wait3A_146 = arith.constant 0 : i32
    %dma_wait3A_147 = arith.constant 0 : i32
    %dma_wait3A_148 = tpu.memref_slice %arg4[%dma_wait3A_146, %dma_wait3A_147] : memref<1000000x32xf32, #tpu.memory_space<hbm>> -> memref<64x32xf32, #tpu.memory_space<hbm>>
    %dma_wait3A_149 = arith.constant 0 : i32
    %dma_wait3A_150 = arith.constant 0 : i32
    %dma_wait3A_151 = tpu.memref_slice %arg8[%dma_wait3A_149, %dma_wait3A_150] : memref<512x32xf32, #tpu.memory_space<vmem>> -> memref<64x32xf32, #tpu.memory_space<vmem>>
    %dma_wait3A_152 = arith.constant 0 : i32
    %dma_wait3A_153 = arith.constant 0 : i32
    %dma_wait3A_154 = tpu.memref_slice %arg4[%dma_wait3A_152, %dma_wait3A_153] : memref<1000000x32xf32, #tpu.memory_space<hbm>> -> memref<64x32xf32, #tpu.memory_space<hbm>>
    tpu.wait_dma2 semaphore(%arg12 : memref<!tpu.dma_semaphore, #tpu.memory_space<semaphore_mem>>) src(%dma_wait3A_154 : memref<64x32xf32, #tpu.memory_space<hbm>>) dst(%dma_wait3A_151 : memref<64x32xf32, #tpu.memory_space<vmem>>)
    %dma_wait3A_155 = arith.constant 0 : i32
    %dma_wait3A_156 = arith.constant 0 : i32
    %dma_wait3A_157 = tpu.memref_slice %arg8[%dma_wait3A_155, %dma_wait3A_156] : memref<512x32xf32, #tpu.memory_space<vmem>> -> memref<64x32xf32, #tpu.memory_space<vmem>>
    %dma_wait3A_158 = arith.constant 0 : i32
    %dma_wait3A_159 = arith.constant 0 : i32
    %dma_wait3A_160 = tpu.memref_slice %arg4[%dma_wait3A_158, %dma_wait3A_159] : memref<1000000x32xf32, #tpu.memory_space<hbm>> -> memref<64x32xf32, #tpu.memory_space<hbm>>
    %dma_wait3A_161 = arith.constant 0 : i32
    %dma_wait3A_162 = arith.constant 0 : i32
    %dma_wait3A_163 = tpu.memref_slice %arg8[%dma_wait3A_161, %dma_wait3A_162] : memref<512x32xf32, #tpu.memory_space<vmem>> -> memref<64x32xf32, #tpu.memory_space<vmem>>
    %dma_wait3A_164 = arith.constant 0 : i32
    %dma_wait3A_165 = arith.constant 0 : i32
    %dma_wait3A_166 = tpu.memref_slice %arg4[%dma_wait3A_164, %dma_wait3A_165] : memref<1000000x32xf32, #tpu.memory_space<hbm>> -> memref<64x32xf32, #tpu.memory_space<hbm>>
    tpu.wait_dma2 semaphore(%arg13 : memref<!tpu.dma_semaphore, #tpu.memory_space<semaphore_mem>>) src(%dma_wait3A_166 : memref<64x32xf32, #tpu.memory_space<hbm>>) dst(%dma_wait3A_163 : memref<64x32xf32, #tpu.memory_space<vmem>>)
    %dma_wait3A_167 = arith.constant 0 : i32
    %dma_wait3A_168 = arith.constant 0 : i32
    %dma_wait3A_169 = tpu.memref_slice %arg8[%dma_wait3A_167, %dma_wait3A_168] : memref<512x32xf32, #tpu.memory_space<vmem>> -> memref<64x32xf32, #tpu.memory_space<vmem>>
    %dma_wait3A_170 = arith.constant 0 : i32
    %dma_wait3A_171 = arith.constant 0 : i32
    %dma_wait3A_172 = tpu.memref_slice %arg4[%dma_wait3A_170, %dma_wait3A_171] : memref<1000000x32xf32, #tpu.memory_space<hbm>> -> memref<64x32xf32, #tpu.memory_space<hbm>>
    %dma_wait3A_173 = arith.constant 0 : i32
    %dma_wait3A_174 = arith.constant 0 : i32
    %dma_wait3A_175 = tpu.memref_slice %arg8[%dma_wait3A_173, %dma_wait3A_174] : memref<512x32xf32, #tpu.memory_space<vmem>> -> memref<64x32xf32, #tpu.memory_space<vmem>>
    %dma_wait3A_176 = arith.constant 0 : i32
    %dma_wait3A_177 = arith.constant 0 : i32
    %dma_wait3A_178 = tpu.memref_slice %arg4[%dma_wait3A_176, %dma_wait3A_177] : memref<1000000x32xf32, #tpu.memory_space<hbm>> -> memref<64x32xf32, #tpu.memory_space<hbm>>
    tpu.wait_dma2 semaphore(%arg14 : memref<!tpu.dma_semaphore, #tpu.memory_space<semaphore_mem>>) src(%dma_wait3A_178 : memref<64x32xf32, #tpu.memory_space<hbm>>) dst(%dma_wait3A_175 : memref<64x32xf32, #tpu.memory_space<vmem>>)
    %dma_wait3A_179 = arith.constant 0 : i32
    %dma_wait3A_180 = arith.constant 0 : i32
    %dma_wait3A_181 = tpu.memref_slice %arg8[%dma_wait3A_179, %dma_wait3A_180] : memref<512x32xf32, #tpu.memory_space<vmem>> -> memref<64x32xf32, #tpu.memory_space<vmem>>
    %dma_wait3A_182 = arith.constant 0 : i32
    %dma_wait3A_183 = arith.constant 0 : i32
    %dma_wait3A_184 = tpu.memref_slice %arg4[%dma_wait3A_182, %dma_wait3A_183] : memref<1000000x32xf32, #tpu.memory_space<hbm>> -> memref<64x32xf32, #tpu.memory_space<hbm>>
    %dma_wait3A_185 = arith.constant 0 : i32
    %dma_wait3A_186 = arith.constant 0 : i32
    %dma_wait3A_187 = tpu.memref_slice %arg8[%dma_wait3A_185, %dma_wait3A_186] : memref<512x32xf32, #tpu.memory_space<vmem>> -> memref<64x32xf32, #tpu.memory_space<vmem>>
    %dma_wait3A_188 = arith.constant 0 : i32
    %dma_wait3A_189 = arith.constant 0 : i32
    %dma_wait3A_190 = tpu.memref_slice %arg4[%dma_wait3A_188, %dma_wait3A_189] : memref<1000000x32xf32, #tpu.memory_space<hbm>> -> memref<64x32xf32, #tpu.memory_space<hbm>>
    tpu.wait_dma2 semaphore(%arg15 : memref<!tpu.dma_semaphore, #tpu.memory_space<semaphore_mem>>) src(%dma_wait3A_190 : memref<64x32xf32, #tpu.memory_space<hbm>>) dst(%dma_wait3A_187 : memref<64x32xf32, #tpu.memory_space<vmem>>)
    %dma_wait3A_191 = arith.constant 0 : i32
    %dma_wait3A_192 = arith.constant 0 : i32
    %dma_wait3A_193 = tpu.memref_slice %arg8[%dma_wait3A_191, %dma_wait3A_192] : memref<512x32xf32, #tpu.memory_space<vmem>> -> memref<64x32xf32, #tpu.memory_space<vmem>>
    %dma_wait3A_194 = arith.constant 0 : i32
    %dma_wait3A_195 = arith.constant 0 : i32
    %dma_wait3A_196 = tpu.memref_slice %arg4[%dma_wait3A_194, %dma_wait3A_195] : memref<1000000x32xf32, #tpu.memory_space<hbm>> -> memref<64x32xf32, #tpu.memory_space<hbm>>
    %dma_wait3A_197 = arith.constant 0 : i32
    %dma_wait3A_198 = arith.constant 0 : i32
    %dma_wait3A_199 = tpu.memref_slice %arg8[%dma_wait3A_197, %dma_wait3A_198] : memref<512x32xf32, #tpu.memory_space<vmem>> -> memref<64x32xf32, #tpu.memory_space<vmem>>
    %dma_wait3A_200 = arith.constant 0 : i32
    %dma_wait3A_201 = arith.constant 0 : i32
    %dma_wait3A_202 = tpu.memref_slice %arg4[%dma_wait3A_200, %dma_wait3A_201] : memref<1000000x32xf32, #tpu.memory_space<hbm>> -> memref<64x32xf32, #tpu.memory_space<hbm>>
    tpu.wait_dma2 semaphore(%arg16 : memref<!tpu.dma_semaphore, #tpu.memory_space<semaphore_mem>>) src(%dma_wait3A_202 : memref<64x32xf32, #tpu.memory_space<hbm>>) dst(%dma_wait3A_199 : memref<64x32xf32, #tpu.memory_space<vmem>>)
    "tpu.region"() ({
      %run_scoped3A = tpu.sem_alloc : memref<!tpu.dma_semaphore, #tpu.memory_space<semaphore_mem>>
      %dma_start3A = arith.constant 0 : i32
      %dma_start3A_203 = tpu.memref_slice %arg6[%mul3A_2, %dma_start3A] : memref<16384x32xf32, #tpu.memory_space<hbm>> -> memref<512x32xf32, #tpu.memory_space<hbm>>
      %dma_start3A_204 = arith.constant 0 : i32
      %dma_start3A_205 = tpu.memref_slice %arg6[%mul3A_2, %dma_start3A_204] : memref<16384x32xf32, #tpu.memory_space<hbm>> -> memref<512x32xf32, #tpu.memory_space<hbm>>
      tpu.enqueue_dma source(%arg8 : memref<512x32xf32, #tpu.memory_space<vmem>>) target(%dma_start3A_205 : memref<512x32xf32, #tpu.memory_space<hbm>>) target_semaphore(%run_scoped3A : memref<!tpu.dma_semaphore, #tpu.memory_space<semaphore_mem>>)
      %dma_wait3A_206 = arith.constant 0 : i32
      %dma_wait3A_207 = tpu.memref_slice %arg6[%mul3A_2, %dma_wait3A_206] : memref<16384x32xf32, #tpu.memory_space<hbm>> -> memref<512x32xf32, #tpu.memory_space<hbm>>
      %dma_wait3A_208 = arith.constant 0 : i32
      %dma_wait3A_209 = tpu.memref_slice %arg6[%mul3A_2, %dma_wait3A_208] : memref<16384x32xf32, #tpu.memory_space<hbm>> -> memref<512x32xf32, #tpu.memory_space<hbm>>
      tpu.wait_dma2 semaphore(%run_scoped3A : memref<!tpu.dma_semaphore, #tpu.memory_space<semaphore_mem>>) src(%arg8 : memref<512x32xf32, #tpu.memory_space<vmem>>) dst(%dma_wait3A_209 : memref<512x32xf32, #tpu.memory_space<hbm>>)
      tpu.yield
    }) : () -> ()
    return
  }
}

</mosaic_0001>

<sc_bundles>
// kernel: wrapper.3.cloned.1.call-start
scs
__scs_entry_jumppad:
0x0: {  	(pc) =	sbr.rel $0x88, $3  }
0x1: {  	(tag) =	ssettag $0x0;
	lr =	simm.s32 $0x1  }
0x2: {  	[smem:$0x3F9E] =	sst lr;
	_ =	strace $0xD0000000  }
0x3: {  	_ = 	snop  }
0x4: {  	_ = 	snop  }
0x5: {  	_ = 	snop  }
0x6: {  	_ = 	snop  }
0x7: {  	_ = 	snop  }
__scs_overlays_trampoline_lowered:
0x8: {  	[smem:$0x3FAD] =	sst s0  }
0x9: {  	[smem:$0x3FAE] =	sst s1  }
0xa: {  	[smem:$0x3FAF] =	sst s2  }
0xb: {  	[smem:$0x3FB0] =	sst s3  }
0xc: {  	[smem:$0x3FB1] =	sst s4  }
0xd: {  	[smem:$0x3FB2] =	sst s5  }
0xe: {  	[smem:$0x3FB3] =	sst s6  }
0xf: {  	[smem:$0x3FB4] =	sst s7  }
0x10: {  	[smem:$0x3FB5] =	sst s8  }
0x11: {  	[smem:$0x3FB6] =	sst s9;
	s0 =	simm.s32 @!p0 $0x0  }
0x12: {  	s1 =	sld [smem:$0x3F9C];
	s0 =	simm.s32 @p0 $0x1  }
0x13: {  	[smem:$0x3FB7] =	sst s0;
	s0 =	simm.s32 @!p1 $0x0  }
0x14: {  	s2 =	sld [smem:$0x3F9B];
	s0 =	simm.s32 @p1 $0x1  }
0x15: {  	[smem:$0x3FB8] =	sst s0;
	s0 =	simm.s32 @!p2 $0x0  }
0x16: {  	s3 =	sld [smem:$0x3FDB];
	s0 =	simm.s32 @p2 $0x1  }
0x17: {  	s4 =	simm.s32 $0x1BF5;
	[smem:$0x3FBA] =	sst s0  }
0x18: {  	s0 =	sld [smem:$0x3F9D];
	_ =	swait.ge [sflag:s4], $0x0  }
0x19: {  	s7 =	sld [smem:$0x3F9E]  }
0x1a: {  	s8 =	sadd.s32 $0xFFFFE003, lr  }
0x1b: {  	s9 =	sadd.s32 $0xFFFFFEF7, lr;
	s5 =	simm.s32 $0xFFFFFFFF;
	p2 =	slt.u32 s8, $0xFFFFF086  }
0x1c: {  	p1 =	slt.u32 s9, $0xF7A;
	s5 =	simm.s32 @!p2 $0x0  }
0x1d: {  	s5 =	simm.s32 @p1 $0x1;
	p0 =	seq.s32 s7, s2  }
0x1e: {  	s7 =	smul.u32 @!p0 $0xF7A, s2;
	p2 =	seq.s32 @!p0 s5, $0x0  }
0x1f: {  	s9 =	smul.u32 $0xF7A, s1;
	s8 =	simm.s32 @!p0 $0x1BF5;
	p2 =	por !p2, p0  }
0x20: {  	[sflag:s8] =	ssyncset.s32 @!p0 $0xFFFFF086;
	s6 =	sadd.s32 @!p0 s3, s7;
	s7 =	simm.s32 @!p0 $0x108  }
0x21: {  	s3 =	sadd.s32 s3, s9;
	s6 =	sadd.s32 @!p0 $0x88, s6;
	s7 =	simm.s32 @p2 $0x1082  }
0x22: {  	[simem:s7], [sflag:s8] =	dma.local @!p0 [hbm:s6], $0xF7A  }
0x23: {  	s9 =	sor.u32 $0xD0000000, s2;
	s6 =	simm.s32 $0x108;
	_ =	swait.ge @!p0 [sflag:s8], $0x0  }
0x24: {  	s3 =	sadd.s32 $0x88, s3;
	s6 =	simm.s32 @!p1 $0x1082;
	[sflag:s4] =	ssyncset.s32 $0xFFFFF086  }
0x25: {  	[simem:s6], [sflag:s4] =	dma.local [hbm:s3], $0xF7A  }
0x26: {  	[smem:$0x3F9E] =	sst s1;
	(tag) =	ssettag s2;
	_ =	strace s9  }
0x27: {  	s1 =	sld [smem:$0x3FAE]  }
0x28: {  	s2 =	sld [smem:$0x3FAF]  }
0x29: {  	s4 =	sld [smem:$0x3FB1]  }
0x2a: {  	p0 =	seq.s32 s5, $0x0;
	s5 =	sld [smem:$0x3FB2]  }
0x2b: {  	s6 =	sld [smem:$0x3FB3]  }
0x2c: {  	s7 =	sld [smem:$0x3FB4]  }
0x2d: {  	s3 =	simm.s32 $0x108;
	s8 =	sld [smem:$0x3FB5]  }
0x2e: {  	s3 =	simm.s32 @!p0 $0x1082;
	s9 =	sld [smem:$0x3FB6]  }
0x2f: {  	lr =	sadd.s32 s0, s3;
	s0 =	sld [smem:$0x3FAD]  }
0x30: {  	s3 =	sld [smem:$0x3FB0]  }
0x31: {  	[smem:$0x3FB9] =	sst s10  }
0x32: {  	s10 =	sld [smem:$0x3FB7];
	_ =	sdelay $0x3  }
0x33: {  	p0 =	seq.s32 s10, $0x1;
	s10 =	sld [smem:$0x3FB9];
	_ =	sdelay $0x3  }
0x34: {  	[smem:$0x3FB9] =	sst s10  }
0x35: {  	s10 =	sld [smem:$0x3FB8];
	_ =	sdelay $0x3  }
0x36: {  	p1 =	seq.s32 s10, $0x1;
	s10 =	sld [smem:$0x3FB9];
	_ =	sdelay $0x3  }
0x37: {  	[smem:$0x3FB9] =	sst s10  }
0x38: {  	s10 =	sld [smem:$0x3FBA]  }
0x39: {  	_ = 	snop;
	(pc) =	sbr.ind lr, $3  }
0x3a: {  	_ = 	snop  }
0x3b: {  	_ = 	snop  }
0x3c: {  	p2 =	seq.s32 s10, $0x1;
	s10 =	sld [smem:$0x3FB9]  }
0x3d: {  	_ =	shalt  }
0x3e: {  	_ =	shalt  }
0x3f: {  	_ =	shalt  }
0x40: {  	_ =	shalt  }
0x41: {  	_ =	shalt  }
0x42: {  	_ =	shalt  }
0x43: {  	_ =	shalt  }
0x44: {  	_ =	shalt  }
0x45: {  	_ =	shalt  }
0x46: {  	_ =	shalt  }
0x47: {  	_ =	shalt  }
0x48: {  	_ =	shalt  }
0x49: {  	_ =	shalt  }
0x4a: {  	_ =	shalt  }
0x4b: {  	_ =	shalt  }
0x4c: {  	_ =	shalt  }
0x4d: {  	_ =	shalt  }
0x4e: {  	_ =	shalt  }
0x4f: {  	_ =	shalt  }
0x50: {  	_ =	shalt  }
0x51: {  	_ =	shalt  }
0x52: {  	_ =	shalt  }
0x53: {  	_ =	shalt  }
0x54: {  	_ =	shalt  }
0x55: {  	_ =	shalt  }
0x56: {  	_ =	shalt  }
0x57: {  	_ =	shalt  }
0x58: {  	_ =	shalt  }
0x59: {  	_ =	shalt  }
0x5a: {  	_ =	shalt  }
0x5b: {  	_ =	shalt  }
0x5c: {  	_ =	shalt  }
0x5d: {  	_ =	shalt  }
0x5e: {  	_ =	shalt  }
0x5f: {  	_ =	shalt  }
0x60: {  	_ =	shalt  }
0x61: {  	_ =	shalt  }
0x62: {  	_ =	shalt  }
0x63: {  	_ =	shalt  }
0x64: {  	_ =	shalt  }
0x65: {  	_ =	shalt  }
0x66: {  	_ =	shalt  }
0x67: {  	_ =	shalt  }
0x68: {  	_ =	shalt  }
0x69: {  	_ =	shalt  }
0x6a: {  	_ =	shalt  }
0x6b: {  	_ =	shalt  }
0x6c: {  	_ =	shalt  }
0x6d: {  	_ =	shalt  }
0x6e: {  	_ =	shalt  }
0x6f: {  	_ =	shalt  }
0x70: {  	_ =	shalt  }
0x71: {  	_ =	shalt  }
0x72: {  	_ =	shalt  }
0x73: {  	_ =	shalt  }
0x74: {  	_ =	shalt  }
0x75: {  	_ =	shalt  }
0x76: {  	_ =	shalt  }
0x77: {  	_ =	shalt  }
0x78: {  	_ =	shalt  }
0x79: {  	_ =	shalt  }
0x7a: {  	_ =	shalt  }
0x7b: {  	_ =	shalt  }
0x7c: {  	_ =	shalt  }
0x7d: {  	_ =	shalt  }
0x7e: {  	_ =	shalt  }
0x7f: {  	_ =	shalt  }
0x80: {  	_ =	shalt  }
0x81: {  	_ =	shalt  }
0x82: {  	_ =	shalt  }
0x83: {  	_ =	shalt  }
0x84: {  	_ =	shalt  }
0x85: {  	_ =	shalt  }
0x86: {  	_ =	shalt  }
0x87: {  	_ =	shalt  }
.Lfunc_end0:
.L_simem_size_0:
called_computation_lowered:
.L_overlay_start_0:
0x88: {  	s2 =	sld [smem:$0x3FD9]  }
0x89: {  	s3 =	sld [smem:$0x3FFE];
	_ =	sdelay $0x1  }
0x8a: {  	s1 =	srdreg.scid  }
0x8b: {  	s0 =	sand.u32 $0x1, s1  }
0x8c: {  	s17 =	sshll.u32 s0, $0xA;
	s2 =	sadd.s32 s3, s2  }
0x8d: {  	s2 =	sadd.s32 s2, s17  }
0x8e: {  	[smem:$0x3FC5] =	sst s2  }
0x8f: {  	_ = 	snop  }
0x90: {  	s2 =	sld [smem:$0x3FC9];
	(tm) =	ssettm $0x1  }
0x91: {  	s18 =	sld [smem:$0x3FFB];
	_ =	sdelay $0x3  }
0x92: {  	_ =	strace s18  }
0x93: {  	s3 =	sld [smem:$0x3FFC];
	_ =	sdelay $0x3  }
0x94: {  	_ =	strace s3  }
0x95: {  	s3 =	sld [smem:$0x3FFD];
	_ =	sdelay $0x3  }
0x96: {  	_ =	strace s3  }
0x97: {  	_ =	strace $0x8FFFFFFF  }
0x98: {  	s19 =	sld [smem:$0x3FDB];
	_ =	sdelay $0x1  }
0x99: {  	s4 =	simm.s32 $_scs_section_size  }
0x9a: {  	s5 =	simm.s32 $_size__tile_overlayer_lowered;
	s6 =	simm.s32 $_tile_overlayer_lowered  }
0x9b: {  	s22 =	simm.s32 $0x1BFF;
	s21 =	sshll.u32 s6, $0x1;
	s3 =	sadd.s32 s4, s19  }
0x9c: {  	s7 =	simm.s32 $0x0;
	s20 =	sshll.u32 s5, $0x1;
	s5 =	sadd.s32 s21, s3  }
0x9d: {  	[timem:s7], [sflag:s22] =	dma.local [hbm:s5], s20  }
0x9e: {  	_ =	swait.ge [sflag:s22], s20  }
0x9f: {  	s4 =	ssub.s32 $0x0, s20;
	[sflag:s22] =	ssyncset.done $0x0  }
0xa0: {  	[sflag:s22] =	ssyncadd.s32 s4;
	_ =	sdelay $0x1  }
0xa1: {  	s23 =	simm.s32 $0x1B8B  }
0xa2: {  	_ =	swait.ge [sflag:s23], $0x1  }
0xa3: {  	[sflag:s23] =	ssyncset.done $0x0  }
0xa4: {  	s25 =	simm.s32 $0x1B8E;
	s24 =	sld [smem:$0x3FFE];
	[sflag:s23] =	ssyncadd.s32 $0xFFFFFFFF  }
0xa5: {  	s26 =	simm.s32 $execute0_lowered;
	[smem:$0x3FD2] =	sst s25  }
0xa6: {  	s5 =	sshll.u32 s26, $0x1;
	_ =	strace $0x80000046;
	[dreg:$0x1] =	wrdreg $0xFFFFFFFF  }
0xa7: {  	s28 =	simm.s32 $_size_execute0_lowered;
	s3 =	sadd.s32 s3, s5;
	[dreg:$0x0] =	wrdreg $0x0  }
0xa8: {  	s5 =	sshll.u32 s28, $0x1;
	[dreg:$0x2] =	wrdreg s3  }
0xa9: {  	[dreg:$0x3] =	wrdreg s5  }
0xaa: {  	[dreg:$0x4] =	wrdreg $0xC0  }
0xab: {  	_ =	task [dreg:s7], $0x5FFFF  }
0xac: {  	[dreg:$0x1] =	wrdreg $0xFFFFFFFF  }
0xad: {  	[dreg:$0x0] =	wrdreg $0x60  }
0xae: {  	[dreg:$0x2] =	wrdreg s2  }
0xaf: {  	[dreg:$0x3] =	wrdreg s24  }
0xb0: {  	[dreg:$0x4] =	wrdreg $0x9  }
0xb1: {  	_ =	task.clear_ibuf [dreg:s7], $0x5FFFF;
	_ =	strace $0x90000046  }
0xb2: {  	s29 =	simm.s32 $0x9;
	_ =	strace $0x80000048  }
0xb3: {  	_ =	swait.ge [sflag:s29], $0x1  }
0xb4: {  	[sflag:s29] =	ssyncadd.s32 $0xFFFFFFFF  }
0xb5: {  	_ =	strace $0x90000048  }
0xb6: {  	_ =	sfence  }
0xb7: {  	s30 =	sld [smem:$0x0];
	_ =	sdelay $0x2  }
0xb8: {  	s31 =	sshll.u32 s1, $0xD;
	s1 =	sshrl.u32 s1, $0x2  }
0xb9: {  	s3 =	sand.u32 $0x4000, s31;
	s1 =	sadd.s32 s1, s30  }
0xba: {  	s0 =	sor.u32 s3, s0;
	s1 =	sshll.u32 s1, $0x11  }
0xbb: {  	s0 =	sor.u32 s1, s0  }
0xbc: {  	s0 =	sadd.s32 $0x8F2B, s0  }
0xbd: {  	[sflag:s0] =	ssyncadd.remote.s32 $0x1  }
0xbe: {  	_ =	sfence.sel $0xFFFF  }
0xbf: {  	[dreg:$0x0] =	wrdreg $0xFFFFFFFF;
	(pc) =	sbr.abs _section_cstart, $3  }
0xc0: {  	[dreg:$0x1] =	wrdreg $0xFFFFFFFF  }
0xc1: {  	_ =	task.clear_ibuf [dreg:s7], $0x2FFFF;
	_ =	strace $0x9FFFFFFF  }
0xc2: {  	(tm) =	ssettm $0x7FFFFFFF  }
0xc3: {  	_ =	shalt  }
tec
execute0_lowered:
.L_overlay_start_1:
0x0: {  	(tag) =	ssettag $0x1  }
0x1: {  	s0 =	rddreg [dreg:$0x0]  }
0x2: {  	s5 =	rddreg [dreg:$0x1]  }
0x3: {  	s2 =	simm.s32 $0x0;
	s3 =	srdreg.scid;
	s1 =	stileid.u32  }
0x4: {  	s12 =	simm.s32 $0x3;
	s13 =	simm.s32 $0x4;
	s14 =	simm.s32 $0x5  }
0x5: {  	s15 =	simm.s32 $0x6;
	s16 =	simm.s32 $0x7;
	s4 =	sand.u32 $0x1, s3  }
0x6: {  	s17 =	simm.s32 $0x8;
	s6 =	sshll.u32 s1, $0xA;
	s7 =	sshll.u32 s4, $0x9  }
0x7: {  	[smem:$0x7FF] =	sst s2;
	s26 =	ssub.s32 $0x2, s4;
	s6 =	sor.u32 s7, s6  }
0x8: {  	_ =	strace $0x80000047;
	s9 =	sshrl.u32 s26, $0x1;
	s28 =	sshrl.u32 s6, $0x3  }
0x9: {  	s8 =	sshll.u32 s6, $0x4;
	s9 =	ssub.s32 s26, s9;
	s0 =	sadd.s32 s0, s28  }
0xa: {  	s8 =	sadd.s32 s8, s5;
	s31 =	smax.u32 s9, $0x1;
	[dreg:$0x3] =	wrdreg s0  }
0xb: {  	s19 =	simm.s32 $0x0;
	s29 =	sadd.s32 $0x1E85000, s8;
	[dreg:$0x6] =	wrdreg s31  }
0xc: {  	s3 =	sadd.s32 $0x800, s5;
	s30 =	sadd.s32 $0x1EC5000, s8;
	[dreg:$0x4] =	wrdreg s29  }
0xd: {  	s4 =	sadd.s32 $0xF42C00, s5;
	s9 =	simm.s32 $0x9;
	[dreg:$0x5] =	wrdreg s30  }
.LBB2_1:
0xe: {  	s0 =	rddreg [dreg:$0x3]  }
0xf: {  	[tilespmem:s2], [sflag:$0x9] =	stream.linear.gather [hbm4b:s0+s2], $0x200, $0x38;
	[tilespmem:$0x10200] =	vst v63  }
0x10: {  	_ =	swait.ge [sflag:s9], $0x200  }
0x11: {  	[sflag:s9] =	ssyncset.done $0x0  }
0x12: {  	[sflag:s9] =	ssyncadd.s32 $0xFFFFFE00  }
0x13: {  	v0 =	vld [tilespmem:s2+$0x0];
	_ =	sdelay $0x4  }
0x14: {  	v0 =	vshll.u32 v0, $0x4  }
0x15: {  	(v2sf) =	vpush v0, $0x0  }
0x16: {  	(v2sf) =	vpush v0, $0x1  }
0x17: {  	(v2sf) =	vpush v0, $0x2;
	_ =	sdelay $0x1  }
0x18: {  	(v2sf) =	vpush v0, $0x4;
	_ =	sdelay $0x1  }
0x19: {  	(v2sf) =	vpush v0, $0x3  }
0x1a: {  	(v2sf) =	vpush v0, $0x5  }
0x1b: {  	s21 =	simm.s32 $0x2000;
	s20 =	simm.s32 $0x0;
	s22 =	simm.s32 $0x0;
	(v2sf) =	vpush v0, $0x6  }
.LBB2_2:
0x1c: {  	p0 =	sne.s32 s21, $0x3E000  }
0x1d: {  	s1 =	sadd.s32 $0x280, s20;
	s26 =	sadd.s32 $0x780, s20;
	s23 =	smov.u32 s21  }
0x1e: {  	s21 =	sadd.s32 $0x2000, s21;
	s30 =	sadd.s32 $0x580, s20;
	s24 =	sadd.s32 $0x800, s20;
	(v2sf) =	vpush v0, $0x7  }
0x1f: {  	s0 =	sadd.s32 $0x480, s20;
	s29 =	sadd.s32 $0x600, s20;
	s25 =	sadd.s32 $0x880, s20  }
0x20: {  	s5 =	sadd.s32 $0x200, s20;
	s6 =	sadd.s32 $0x400, s20;
	(v2sf) =	vpush v0, $0x8  }
0x21: {  	s7 =	sadd.s32 $0x500, s20;
	s22 =	sadd.s32 $0x10, s22  }
0x22: {  	s8 =	sadd.s32 $0x300, s20;
	s28 =	sadd.s32 $0x700, s20;
	s31 =	spop (v2sf);
	(v2sf) =	vpush v0, $0x9  }
0x23: {  	s18 =	sand.u32 $0x1FFFFFF0, s31;
	s31 =	sadd.s32 $0x680, s20;
	s10 =	spop (v2sf)  }
0x24: {  	s18 =	sadd.s32 s3, s18;
	s10 =	sand.u32 $0x1FFFFFF0, s10;
	s11 =	spop (v2sf);
	(v2sf) =	vpush v0, $0xA  }
0x25: {  	[tilespmem:s5], [sflag:$0x1] =	stream.linear.gather [hbm4b:s18+s2], $0x80, $0x38;
	[tilespmem:$0x10200] =	vst v63  }
0x26: {  	s5 =	sadd.s32 s3, s10;
	s10 =	sadd.s32 $0x380, s20;
	s18 =	spop (v2sf);
	(v2sf) =	vpush v0, $0xB  }
0x27: {  	[tilespmem:s1], [sflag:$0x2] =	stream.linear.gather [hbm4b:s5+s2], $0x80, $0x38;
	[tilespmem:$0x10200] =	vst v63  }
0x28: {  	s1 =	sand.u32 $0x1FFFFFF0, s11;
	s5 =	sand.u32 $0x1FFFFFF0, s18;
	s11 =	spop (v2sf);
	(v2sf) =	vpush v0, $0xC  }
0x29: {  	s1 =	sadd.s32 s3, s1;
	s11 =	sand.u32 $0x1FFFFFF0, s11;
	s18 =	spop (v2sf)  }
0x2a: {  	[tilespmem:s8], [sflag:$0x3] =	stream.linear.gather [hbm4b:s1+s2], $0x80, $0x38;
	(v2sf) =	vpush v0, $0xD;
	[tilespmem:$0x10200] =	vst v63  }
0x2b: {  	s1 =	sadd.s32 s3, s11;
	s8 =	sand.u32 $0x1FFFFFF0, s18;
	s11 =	spop (v2sf)  }
0x2c: {  	[tilespmem:s10], [sflag:$0x4] =	stream.linear.gather [hbm4b:s1+s2], $0x80, $0x38;
	(v2sf) =	vpush v0, $0xE;
	[tilespmem:$0x10200] =	vst v63  }
0x2d: {  	s1 =	sadd.s32 s3, s5;
	s5 =	sand.u32 $0x1FFFFFF0, s11;
	s10 =	spop (v2sf)  }
0x2e: {  	[tilespmem:s6], [sflag:$0x5] =	stream.linear.gather [hbm4b:s1+s2], $0x80, $0x38;
	(v2sf) =	vpush v0, $0xF;
	[tilespmem:$0x10200] =	vst v63  }
0x2f: {  	s1 =	sadd.s32 s3, s8;
	s6 =	sand.u32 $0x1FFFFFF0, s10;
	s8 =	spop (v2sf)  }
0x30: {  	[tilespmem:s0], [sflag:$0x6] =	stream.linear.gather [hbm4b:s1+s2], $0x80, $0x38;
	[tilespmem:$0x10200] =	vst v63  }
0x31: {  	s0 =	sadd.s32 s3, s5;
	s1 =	sand.u32 $0x1FFFFFF0, s8;
	s5 =	spop (v2sf)  }
0x32: {  	[tilespmem:s7], [sflag:$0x7] =	stream.linear.gather [hbm4b:s0+s2], $0x80, $0x38;
	[tilespmem:$0x10200] =	vst v63  }
0x33: {  	s0 =	sadd.s32 s3, s6;
	s5 =	sand.u32 $0x1FFFFFF0, s5;
	s6 =	spop (v2sf)  }
0x34: {  	[tilespmem:s30], [sflag:$0x8] =	stream.linear.gather [hbm4b:s0+s2], $0x80, $0x38;
	[tilespmem:$0x10200] =	vst v63  }
0x35: {  	s0 =	sadd.s32 s3, s1;
	s1 =	sand.u32 $0x1FFFFFF0, s6;
	s6 =	spop (v2sf)  }
0x36: {  	[tilespmem:s29], [sflag:$0x1] =	stream.linear.gather [hbm4b:s0+s2], $0x80, $0x38;
	[tilespmem:$0x10200] =	vst v63  }
0x37: {  	s0 =	sadd.s32 s3, s5;
	s5 =	sand.u32 $0x1FFFFFF0, s6;
	s6 =	spop (v2sf)  }
0x38: {  	[tilespmem:s31], [sflag:$0x2] =	stream.linear.gather [hbm4b:s0+s2], $0x80, $0x38;
	[tilespmem:$0x10200] =	vst v63  }
0x39: {  	s0 =	sadd.s32 s3, s1;
	s1 =	sand.u32 $0x1FFFFFF0, s6;
	s6 =	spop (v2sf)  }
0x3a: {  	[tilespmem:s28], [sflag:$0x3] =	stream.linear.gather [hbm4b:s0+s2], $0x80, $0x38;
	[tilespmem:$0x10200] =	vst v63  }
0x3b: {  	s0 =	sadd.s32 s3, s5;
	s5 =	sand.u32 $0x1FFFFFF0, s6;
	s6 =	spop (v2sf)  }
0x3c: {  	[tilespmem:s26], [sflag:$0x4] =	stream.linear.gather [hbm4b:s0+s2], $0x80, $0x38;
	[tilespmem:$0x10200] =	vst v63  }
0x3d: {  	s0 =	sadd.s32 s3, s1;
	s1 =	sand.u32 $0x1FFFFFF0, s6;
	s6 =	spop (v2sf)  }
0x3e: {  	[tilespmem:s24], [sflag:$0x5] =	stream.linear.gather [hbm4b:s0+s2], $0x80, $0x38;
	[tilespmem:$0x10200] =	vst v63  }
0x3f: {  	s0 =	sadd.s32 s3, s5;
	s5 =	sand.u32 $0x1FFFFFF0, s6  }
0x40: {  	[tilespmem:s25], [sflag:$0x6] =	stream.linear.gather [hbm4b:s0+s2], $0x80, $0x38;
	[tilespmem:$0x10200] =	vst v63  }
0x41: {  	s1 =	sadd.s32 s3, s1;
	s0 =	sadd.s32 $0x900, s20  }
0x42: {  	[tilespmem:s0], [sflag:$0x7] =	stream.linear.gather [hbm4b:s1+s2], $0x80, $0x38;
	[tilespmem:$0x10200] =	vst v63  }
0x43: {  	s0 =	sadd.s32 $0x980, s20;
	s1 =	sadd.s32 s3, s5  }
0x44: {  	[tilespmem:s0], [sflag:$0x8] =	stream.linear.gather [hbm4b:s1+s2], $0x80, $0x38;
	[tilespmem:$0x10200] =	vst v63  }
0x45: {  	v0 =	vld [tilespmem:s22+$0x0];
	_ =	sdelay $0x4  }
0x46: {  	v0 =	vshll.u32 v0, $0x4  }
0x47: {  	(v2sf) =	vpush v0, $0x0  }
0x48: {  	(v2sf) =	vpush v0, $0x1  }
0x49: {  	(v2sf) =	vpush v0, $0x2;
	_ =	sdelay $0x1  }
0x4a: {  	(v2sf) =	vpush v0, $0x4  }
.Ltmp0:
0x4b: {  	(pc) =	sbr.rel @p0 .LBB2_2-.Ltmp0, $3  }
0x4c: {  	(v2sf) =	vpush v0, $0x3  }
0x4d: {  	(v2sf) =	vpush v0, $0x5;
	_ =	sdelay $0x1  }
0x4e: {  	s20 =	sshra.s32 s23, $0x2;
	(v2sf) =	vpush v0, $0x6  }
0x4f: {  	_ =	sdelay $0x4  }
0x50: {  	s0 =	spop (v2sf)  }
0x51: {  	s0 =	sand.u32 $0x1FFFFFF0, s0  }
0x52: {  	s5 =	sadd.s32 $0x200, s20;
	(v2sf) =	vpush v0, $0x7;
	s1 =	spop (v2sf);
	s0 =	sadd.s32 s3, s0  }
0x53: {  	[tilespmem:s5], [sflag:$0x1] =	stream.linear.gather [hbm4b:s0+s2], $0x80, $0x38;
	[tilespmem:$0x10200] =	vst v63  }
0x54: {  	s1 =	sand.u32 $0x1FFFFFF0, s1;
	s6 =	spop (v2sf);
	s5 =	sadd.s32 $0x280, s20  }
0x55: {  	s1 =	sadd.s32 s3, s1;
	s7 =	sand.u32 $0x1FFFFFF0, s6;
	s10 =	spop (v2sf)  }
0x56: {  	[tilespmem:s5], [sflag:$0x2] =	stream.linear.gather [hbm4b:s1+s2], $0x80, $0x38;
	[tilespmem:$0x10200] =	vst v63  }
0x57: {  	s8 =	sadd.s32 $0x300, s20;
	s0 =	sadd.s32 s3, s7;
	s11 =	spop (v2sf);
	(v2sf) =	vpush v0, $0x8  }
0x58: {  	[tilespmem:s8], [sflag:$0x3] =	stream.linear.gather [hbm4b:s0+s2], $0x80, $0x38;
	[tilespmem:$0x10200] =	vst v63  }
0x59: {  	s0 =	sand.u32 $0x1FFFFFF0, s11;
	(v2sf) =	vpush v0, $0x9  }
0x5a: {  	s18 =	sadd.s32 $0x380, s20;
	s21 =	sand.u32 $0x1FFFFFF0, s10;
	s0 =	sadd.s32 s3, s0  }
0x5b: {  	(v2sf) =	vpush v0, $0xA;
	[tilespmem:s18], [sflag:$0x4] =	stream.linear.gather [hbm4b:s0+s2], $0x80, $0x38;
	[tilespmem:$0x10200] =	vst v63  }
0x5c: {  	s22 =	sadd.s32 $0x400, s20;
	s23 =	spop (v2sf);
	s0 =	sadd.s32 s3, s21  }
0x5d: {  	[tilespmem:s22], [sflag:$0x5] =	stream.linear.gather [hbm4b:s0+s2], $0x80, $0x38;
	[tilespmem:$0x10200] =	vst v63  }
0x5e: {  	s0 =	sand.u32 $0x1FFFFFF0, s23  }
0x5f: {  	s24 =	sadd.s32 $0x480, s20;
	s25 =	spop (v2sf);
	s0 =	sadd.s32 s3, s0  }
0x60: {  	[tilespmem:s24], [sflag:$0x6] =	stream.linear.gather [hbm4b:s0+s2], $0x80, $0x38;
	[tilespmem:$0x10200] =	vst v63  }
0x61: {  	s28 =	spop (v2sf);
	(v2sf) =	vpush v0, $0xB  }
0x62: {  	s0 =	sand.u32 $0x1FFFFFF0, s25  }
0x63: {  	s26 =	sadd.s32 $0x500, s20;
	s0 =	sadd.s32 s3, s0  }
0x64: {  	[tilespmem:s26], [sflag:$0x7] =	stream.linear.gather [hbm4b:s0+s2], $0x80, $0x38;
	[tilespmem:$0x10200] =	vst v63  }
0x65: {  	s0 =	sand.u32 $0x1FFFFFF0, s28  }
0x66: {  	s29 =	sadd.s32 $0x580, s20;
	s0 =	sadd.s32 s3, s0;
	s30 =	spop (v2sf);
	(v2sf) =	vpush v0, $0xC  }
0x67: {  	[tilespmem:s29], [sflag:$0x8] =	stream.linear.gather [hbm4b:s0+s2], $0x80, $0x38;
	[tilespmem:$0x10200] =	vst v63  }
0x68: {  	s1 =	spop (v2sf);
	(v2sf) =	vpush v0, $0xD  }
0x69: {  	s0 =	sand.u32 $0x1FFFFFF0, s30  }
0x6a: {  	s31 =	sadd.s32 $0x600, s20;
	s0 =	sadd.s32 s3, s0;
	s6 =	spop (v2sf)  }
0x6b: {  	(v2sf) =	vpush v0, $0xE;
	[tilespmem:s31], [sflag:$0x1] =	stream.linear.gather [hbm4b:s0+s2], $0x80, $0x38;
	[tilespmem:$0x10200] =	vst v63  }
0x6c: {  	s0 =	sand.u32 $0x1FFFFFF0, s1  }
0x6d: {  	s5 =	sadd.s32 $0x680, s20;
	s0 =	sadd.s32 s3, s0  }
0x6e: {  	[tilespmem:s5], [sflag:$0x2] =	stream.linear.gather [hbm4b:s0+s2], $0x80, $0x38;
	[tilespmem:$0x10200] =	vst v63  }
0x6f: {  	s0 =	sand.u32 $0x1FFFFFF0, s6  }
0x70: {  	s7 =	sadd.s32 $0x700, s20;
	s0 =	sadd.s32 s3, s0;
	s8 =	spop (v2sf);
	(v2sf) =	vpush v0, $0xF  }
0x71: {  	[tilespmem:s7], [sflag:$0x3] =	stream.linear.gather [hbm4b:s0+s2], $0x80, $0x38;
	[tilespmem:$0x10200] =	vst v63  }
0x72: {  	s0 =	sand.u32 $0x1FFFFFF0, s8  }
0x73: {  	s10 =	sadd.s32 $0x780, s20;
	s0 =	sadd.s32 s3, s0  }
0x74: {  	[tilespmem:s10], [sflag:$0x4] =	stream.linear.gather [hbm4b:s0+s2], $0x80, $0x38;
	[tilespmem:$0x10200] =	vst v63  }
0x75: {  	s11 =	spop (v2sf)  }
0x76: {  	s0 =	sand.u32 $0x1FFFFFF0, s11  }
0x77: {  	s18 =	sadd.s32 $0x800, s20;
	s21 =	spop (v2sf);
	s0 =	sadd.s32 s3, s0  }
0x78: {  	[tilespmem:s18], [sflag:$0x5] =	stream.linear.gather [hbm4b:s0+s2], $0x80, $0x38;
	[tilespmem:$0x10200] =	vst v63  }
0x79: {  	s0 =	sand.u32 $0x1FFFFFF0, s21  }
0x7a: {  	s22 =	sadd.s32 $0x880, s20;
	s23 =	spop (v2sf);
	s0 =	sadd.s32 s3, s0  }
0x7b: {  	[tilespmem:s22], [sflag:$0x6] =	stream.linear.gather [hbm4b:s0+s2], $0x80, $0x38;
	[tilespmem:$0x10200] =	vst v63  }
0x7c: {  	s0 =	sand.u32 $0x1FFFFFF0, s23  }
0x7d: {  	s24 =	sadd.s32 $0x900, s20;
	s0 =	sadd.s32 s3, s0  }
0x7e: {  	[tilespmem:s24], [sflag:$0x7] =	stream.linear.gather [hbm4b:s0+s2], $0x80, $0x38;
	[tilespmem:$0x10200] =	vst v63  }
0x7f: {  	s25 =	spop (v2sf)  }
0x80: {  	s0 =	sand.u32 $0x1FFFFFF0, s25  }
0x81: {  	s26 =	sadd.s32 $0x980, s20;
	s28 =	simm.s32 $0x1;
	s0 =	sadd.s32 s3, s0  }
0x82: {  	[tilespmem:s26], [sflag:$0x8] =	stream.linear.gather [hbm4b:s0+s2], $0x80, $0x38;
	[tilespmem:$0x10200] =	vst v63  }
0x83: {  	_ =	swait.ge [sflag:s28], $0x2000  }
0x84: {  	[sflag:s28] =	ssyncset.done $0x0  }
0x85: {  	s29 =	simm.s32 $0x2;
	[sflag:s28] =	ssyncadd.s32 $0xFFFFE000  }
0x86: {  	_ =	swait.ge [sflag:s29], $0x2000  }
0x87: {  	[sflag:s29] =	ssyncset.done $0x0  }
0x88: {  	[sflag:s29] =	ssyncadd.s32 $0xFFFFE000  }
0x89: {  	_ =	swait.ge [sflag:s12], $0x2000  }
0x8a: {  	[sflag:s12] =	ssyncset.done $0x0  }
0x8b: {  	[sflag:s12] =	ssyncadd.s32 $0xFFFFE000  }
0x8c: {  	_ =	swait.ge [sflag:s13], $0x2000  }
0x8d: {  	[sflag:s13] =	ssyncset.done $0x0  }
0x8e: {  	[sflag:s13] =	ssyncadd.s32 $0xFFFFE000  }
0x8f: {  	_ =	swait.ge [sflag:s14], $0x2000  }
0x90: {  	[sflag:s14] =	ssyncset.done $0x0  }
0x91: {  	[sflag:s14] =	ssyncadd.s32 $0xFFFFE000  }
0x92: {  	_ =	swait.ge [sflag:s15], $0x2000  }
0x93: {  	[sflag:s15] =	ssyncset.done $0x0  }
0x94: {  	[sflag:s15] =	ssyncadd.s32 $0xFFFFE000  }
0x95: {  	_ =	swait.ge [sflag:s16], $0x2000  }
0x96: {  	[sflag:s16] =	ssyncset.done $0x0  }
0x97: {  	[sflag:s16] =	ssyncadd.s32 $0xFFFFE000  }
0x98: {  	_ =	swait.ge [sflag:s17], $0x2000  }
0x99: {  	s31 =	simm.s32 $0x200;
	[sflag:s17] =	ssyncset.done $0x0  }
0x9a: {  	s21 =	simm.s32 $0x0;
	s30 =	rddreg [dreg:$0x4];
	[sflag:s17] =	ssyncadd.s32 $0xFFFFE000  }
0x9b: {  	[hbm4b:s30+s21] =	stream.linear.scatter [tilespmem:s31], [sflag:$0x9], $0x10000, $0x38;
	[tilespmem:$0x10200] =	vst v63  }
0x9c: {  	_ =	swait.ge [sflag:s9], $0x10000  }
0x9d: {  	[sflag:s9] =	ssyncset.done $0x0  }
0x9e: {  	[sflag:s9] =	ssyncadd.s32 $0xFFFF0000  }
0x9f: {  	v0 =	vld [tilespmem:s21+$0x0];
	_ =	sdelay $0x4  }
0xa0: {  	v0 =	vshll.u32 v0, $0x4  }
0xa1: {  	(v2sf) =	vpush v0, $0x0  }
0xa2: {  	(v2sf) =	vpush v0, $0x1  }
0xa3: {  	(v2sf) =	vpush v0, $0x2;
	_ =	sdelay $0x1  }
0xa4: {  	(v2sf) =	vpush v0, $0x4;
	_ =	sdelay $0x1  }
0xa5: {  	(v2sf) =	vpush v0, $0x3  }
0xa6: {  	(v2sf) =	vpush v0, $0x5  }
0xa7: {  	s20 =	simm.s32 $0x0;
	s22 =	simm.s32 $0x2000;
	(v2sf) =	vpush v0, $0x6  }
.LBB2_4:
0xa8: {  	p0 =	sne.s32 s22, $0x3E000  }
0xa9: {  	s1 =	sadd.s32 $0x280, s20;
	s26 =	sadd.s32 $0x780, s20;
	s23 =	smov.u32 s22  }
0xaa: {  	s22 =	sadd.s32 $0x2000, s22;
	s30 =	sadd.s32 $0x580, s20;
	s24 =	sadd.s32 $0x800, s20;
	(v2sf) =	vpush v0, $0x7  }
0xab: {  	s0 =	sadd.s32 $0x480, s20;
	s29 =	sadd.s32 $0x600, s20;
	s25 =	sadd.s32 $0x880, s20  }
0xac: {  	s5 =	sadd.s32 $0x200, s20;
	s6 =	sadd.s32 $0x400, s20;
	(v2sf) =	vpush v0, $0x8  }
0xad: {  	s7 =	sadd.s32 $0x500, s20;
	s21 =	sadd.s32 $0x10, s21  }
0xae: {  	s8 =	sadd.s32 $0x300, s20;
	s28 =	sadd.s32 $0x700, s20;
	s10 =	spop (v2sf);
	(v2sf) =	vpush v0, $0x9  }
0xaf: {  	s31 =	sadd.s32 $0x680, s20;
	s10 =	sand.u32 $0x1FFFFFF0, s10;
	s11 =	spop (v2sf)  }
0xb0: {  	s10 =	sadd.s32 s4, s10;
	s11 =	sand.u32 $0x1FFFFFF0, s11;
	s18 =	spop (v2sf);
	(v2sf) =	vpush v0, $0xA  }
0xb1: {  	[tilespmem:s5], [sflag:$0x1] =	stream.linear.gather [hbm4b:s10+s2], $0x80, $0x38;
	[tilespmem:$0x10200] =	vst v63  }
0xb2: {  	s5 =	sadd.s32 s4, s11;
	s10 =	sadd.s32 $0x380, s20;
	s11 =	spop (v2sf);
	(v2sf) =	vpush v0, $0xB  }
0xb3: {  	[tilespmem:s1], [sflag:$0x2] =	stream.linear.gather [hbm4b:s5+s2], $0x80, $0x38;
	[tilespmem:$0x10200] =	vst v63  }
0xb4: {  	s1 =	sand.u32 $0x1FFFFFF0, s18;
	s5 =	sand.u32 $0x1FFFFFF0, s11;
	s11 =	spop (v2sf);
	(v2sf) =	vpush v0, $0xC  }
0xb5: {  	s1 =	sadd.s32 s4, s1;
	s11 =	sand.u32 $0x1FFFFFF0, s11;
	s18 =	spop (v2sf)  }
0xb6: {  	[tilespmem:s8], [sflag:$0x3] =	stream.linear.gather [hbm4b:s1+s2], $0x80, $0x38;
	(v2sf) =	vpush v0, $0xD;
	[tilespmem:$0x10200] =	vst v63  }
0xb7: {  	s1 =	sadd.s32 s4, s11;
	s8 =	sand.u32 $0x1FFFFFF0, s18;
	s11 =	spop (v2sf)  }
0xb8: {  	[tilespmem:s10], [sflag:$0x4] =	stream.linear.gather [hbm4b:s1+s2], $0x80, $0x38;
	(v2sf) =	vpush v0, $0xE;
	[tilespmem:$0x10200] =	vst v63  }
0xb9: {  	s1 =	sadd.s32 s4, s5;
	s5 =	sand.u32 $0x1FFFFFF0, s11;
	s10 =	spop (v2sf)  }
0xba: {  	[tilespmem:s6], [sflag:$0x5] =	stream.linear.gather [hbm4b:s1+s2], $0x80, $0x38;
	(v2sf) =	vpush v0, $0xF;
	[tilespmem:$0x10200] =	vst v63  }
0xbb: {  	s1 =	sadd.s32 s4, s8;
	s6 =	sand.u32 $0x1FFFFFF0, s10;
	s8 =	spop (v2sf)  }
0xbc: {  	[tilespmem:s0], [sflag:$0x6] =	stream.linear.gather [hbm4b:s1+s2], $0x80, $0x38;
	[tilespmem:$0x10200] =	vst v63  }
0xbd: {  	s0 =	sadd.s32 s4, s5;
	s1 =	sand.u32 $0x1FFFFFF0, s8;
	s5 =	spop (v2sf)  }
0xbe: {  	[tilespmem:s7], [sflag:$0x7] =	stream.linear.gather [hbm4b:s0+s2], $0x80, $0x38;
	[tilespmem:$0x10200] =	vst v63  }
0xbf: {  	s0 =	sadd.s32 s4, s6;
	s5 =	sand.u32 $0x1FFFFFF0, s5;
	s6 =	spop (v2sf)  }
0xc0: {  	[tilespmem:s30], [sflag:$0x8] =	stream.linear.gather [hbm4b:s0+s2], $0x80, $0x38;
	[tilespmem:$0x10200] =	vst v63  }
0xc1: {  	s0 =	sadd.s32 s4, s1;
	s1 =	sand.u32 $0x1FFFFFF0, s6;
	s6 =	spop (v2sf)  }
0xc2: {  	[tilespmem:s29], [sflag:$0x1] =	stream.linear.gather [hbm4b:s0+s2], $0x80, $0x38;
	[tilespmem:$0x10200] =	vst v63  }
0xc3: {  	s0 =	sadd.s32 s4, s5;
	s5 =	sand.u32 $0x1FFFFFF0, s6;
	s6 =	spop (v2sf)  }
0xc4: {  	[tilespmem:s31], [sflag:$0x2] =	stream.linear.gather [hbm4b:s0+s2], $0x80, $0x38;
	[tilespmem:$0x10200] =	vst v63  }
0xc5: {  	s0 =	sadd.s32 s4, s1;
	s1 =	sand.u32 $0x1FFFFFF0, s6;
	s6 =	spop (v2sf)  }
0xc6: {  	[tilespmem:s28], [sflag:$0x3] =	stream.linear.gather [hbm4b:s0+s2], $0x80, $0x38;
	[tilespmem:$0x10200] =	vst v63  }
0xc7: {  	s0 =	sadd.s32 s4, s5;
	s5 =	sand.u32 $0x1FFFFFF0, s6;
	s6 =	spop (v2sf)  }
0xc8: {  	[tilespmem:s26], [sflag:$0x4] =	stream.linear.gather [hbm4b:s0+s2], $0x80, $0x38;
	[tilespmem:$0x10200] =	vst v63  }
0xc9: {  	s0 =	sadd.s32 s4, s1;
	s1 =	sand.u32 $0x1FFFFFF0, s6;
	s6 =	spop (v2sf)  }
0xca: {  	[tilespmem:s24], [sflag:$0x5] =	stream.linear.gather [hbm4b:s0+s2], $0x80, $0x38;
	[tilespmem:$0x10200] =	vst v63  }
0xcb: {  	s0 =	sadd.s32 s4, s5;
	s5 =	sand.u32 $0x1FFFFFF0, s6  }
0xcc: {  	[tilespmem:s25], [sflag:$0x6] =	stream.linear.gather [hbm4b:s0+s2], $0x80, $0x38;
	[tilespmem:$0x10200] =	vst v63  }
0xcd: {  	s1 =	sadd.s32 s4, s1;
	s0 =	sadd.s32 $0x900, s20  }
0xce: {  	[tilespmem:s0], [sflag:$0x7] =	stream.linear.gather [hbm4b:s1+s2], $0x80, $0x38;
	[tilespmem:$0x10200] =	vst v63  }
0xcf: {  	s0 =	sadd.s32 $0x980, s20;
	s1 =	sadd.s32 s4, s5  }
0xd0: {  	[tilespmem:s0], [sflag:$0x8] =	stream.linear.gather [hbm4b:s1+s2], $0x80, $0x38;
	[tilespmem:$0x10200] =	vst v63  }
0xd1: {  	v0 =	vld [tilespmem:s21+$0x0];
	_ =	sdelay $0x4  }
0xd2: {  	v0 =	vshll.u32 v0, $0x4  }
0xd3: {  	(v2sf) =	vpush v0, $0x0  }
0xd4: {  	(v2sf) =	vpush v0, $0x1  }
0xd5: {  	(v2sf) =	vpush v0, $0x2;
	_ =	sdelay $0x1  }
0xd6: {  	(v2sf) =	vpush v0, $0x4  }
.Ltmp1:
0xd7: {  	(pc) =	sbr.rel @p0 .LBB2_4-.Ltmp1, $3  }
0xd8: {  	(v2sf) =	vpush v0, $0x3  }
0xd9: {  	(v2sf) =	vpush v0, $0x5;
	_ =	sdelay $0x1  }
0xda: {  	s20 =	sshra.s32 s23, $0x2;
	(v2sf) =	vpush v0, $0x6  }
0xdb: {  	_ =	sdelay $0x5  }
0xdc: {  	s0 =	spop (v2sf)  }
0xdd: {  	s1 =	spop (v2sf)  }
0xde: {  	s31 =	spop (v2sf)  }
0xdf: {  	s7 =	spop (v2sf);
	(v2sf) =	vpush v0, $0x7  }
0xe0: {  	s0 =	sand.u32 $0x1FFFFFF0, s0  }
0xe1: {  	s5 =	sadd.s32 $0x200, s20;
	s0 =	sadd.s32 s4, s0  }
0xe2: {  	[tilespmem:s5], [sflag:$0x1] =	stream.linear.gather [hbm4b:s0+s2], $0x80, $0x38;
	[tilespmem:$0x10200] =	vst v63  }
0xe3: {  	s1 =	sand.u32 $0x1FFFFFF0, s1;
	s8 =	spop (v2sf);
	(v2sf) =	vpush v0, $0x8  }
0xe4: {  	s30 =	sadd.s32 $0x280, s20;
	s1 =	sadd.s32 s4, s1  }
0xe5: {  	[tilespmem:s30], [sflag:$0x2] =	stream.linear.gather [hbm4b:s1+s2], $0x80, $0x38;
	[tilespmem:$0x10200] =	vst v63  }
0xe6: {  	s5 =	sand.u32 $0x1FFFFFF0, s31;
	s21 =	spop (v2sf);
	(v2sf) =	vpush v0, $0x9  }
0xe7: {  	s6 =	sadd.s32 $0x300, s20;
	s0 =	sadd.s32 s4, s5  }
0xe8: {  	[tilespmem:s6], [sflag:$0x3] =	stream.linear.gather [hbm4b:s0+s2], $0x80, $0x38;
	[tilespmem:$0x10200] =	vst v63  }
0xe9: {  	s0 =	sand.u32 $0x1FFFFFF0, s8;
	s23 =	spop (v2sf);
	(v2sf) =	vpush v0, $0xA  }
0xea: {  	s10 =	sadd.s32 $0x380, s20;
	s11 =	sand.u32 $0x1FFFFFF0, s7;
	s0 =	sadd.s32 s4, s0  }
0xeb: {  	[tilespmem:s10], [sflag:$0x4] =	stream.linear.gather [hbm4b:s0+s2], $0x80, $0x38;
	[tilespmem:$0x10200] =	vst v63  }
0xec: {  	s18 =	sadd.s32 $0x400, s20;
	s0 =	sadd.s32 s4, s11  }
0xed: {  	[tilespmem:s18], [sflag:$0x5] =	stream.linear.gather [hbm4b:s0+s2], $0x80, $0x38;
	[tilespmem:$0x10200] =	vst v63  }
0xee: {  	s0 =	sand.u32 $0x1FFFFFF0, s21;
	s25 =	spop (v2sf);
	(v2sf) =	vpush v0, $0xB  }
0xef: {  	s22 =	sadd.s32 $0x480, s20;
	s0 =	sadd.s32 s4, s0  }
0xf0: {  	[tilespmem:s22], [sflag:$0x6] =	stream.linear.gather [hbm4b:s0+s2], $0x80, $0x38;
	[tilespmem:$0x10200] =	vst v63  }
0xf1: {  	s0 =	sand.u32 $0x1FFFFFF0, s23  }
0xf2: {  	s24 =	sadd.s32 $0x500, s20;
	s0 =	sadd.s32 s4, s0;
	s28 =	spop (v2sf);
	(v2sf) =	vpush v0, $0xC  }
0xf3: {  	[tilespmem:s24], [sflag:$0x7] =	stream.linear.gather [hbm4b:s0+s2], $0x80, $0x38;
	[tilespmem:$0x10200] =	vst v63  }
0xf4: {  	s0 =	sand.u32 $0x1FFFFFF0, s25  }
0xf5: {  	s26 =	sadd.s32 $0x580, s20;
	s0 =	sadd.s32 s4, s0;
	s30 =	spop (v2sf);
	(v2sf) =	vpush v0, $0xD  }
0xf6: {  	[tilespmem:s26], [sflag:$0x8] =	stream.linear.gather [hbm4b:s0+s2], $0x80, $0x38;
	[tilespmem:$0x10200] =	vst v63  }
0xf7: {  	s0 =	sand.u32 $0x1FFFFFF0, s28  }
0xf8: {  	s29 =	sadd.s32 $0x600, s20;
	s0 =	sadd.s32 s4, s0;
	s5 =	spop (v2sf);
	(v2sf) =	vpush v0, $0xE  }
0xf9: {  	[tilespmem:s29], [sflag:$0x1] =	stream.linear.gather [hbm4b:s0+s2], $0x80, $0x38;
	[tilespmem:$0x10200] =	vst v63  }
0xfa: {  	s0 =	sand.u32 $0x1FFFFFF0, s30  }
0xfb: {  	s31 =	sadd.s32 $0x680, s20;
	s0 =	sadd.s32 s4, s0  }
0xfc: {  	[tilespmem:s31], [sflag:$0x2] =	stream.linear.gather [hbm4b:s0+s2], $0x80, $0x38;
	[tilespmem:$0x10200] =	vst v63  }
0xfd: {  	s0 =	sand.u32 $0x1FFFFFF0, s5;
	s7 =	spop (v2sf);
	(v2sf) =	vpush v0, $0xF  }
0xfe: {  	s6 =	sadd.s32 $0x700, s20;
	s0 =	sadd.s32 s4, s0  }
0xff: {  	[tilespmem:s6], [sflag:$0x3] =	stream.linear.gather [hbm4b:s0+s2], $0x80, $0x38;
	[tilespmem:$0x10200] =	vst v63  }
0x100: {  	s0 =	sand.u32 $0x1FFFFFF0, s7  }
0x101: {  	s8 =	sadd.s32 $0x780, s20;
	s0 =	sadd.s32 s4, s0;
	s10 =	spop (v2sf)  }
0x102: {  	[tilespmem:s8], [sflag:$0x4] =	stream.linear.gather [hbm4b:s0+s2], $0x80, $0x38;
	[tilespmem:$0x10200] =	vst v63  }
0x103: {  	s0 =	sand.u32 $0x1FFFFFF0, s10  }
0x104: {  	s11 =	sadd.s32 $0x800, s20;
	s18 =	spop (v2sf);
	s0 =	sadd.s32 s4, s0  }
0x105: {  	[tilespmem:s11], [sflag:$0x5] =	stream.linear.gather [hbm4b:s0+s2], $0x80, $0x38;
	[tilespmem:$0x10200] =	vst v63  }
0x106: {  	s0 =	sand.u32 $0x1FFFFFF0, s18  }
0x107: {  	s21 =	sadd.s32 $0x880, s20;
	s22 =	spop (v2sf);
	s0 =	sadd.s32 s4, s0  }
0x108: {  	[tilespmem:s21], [sflag:$0x6] =	stream.linear.gather [hbm4b:s0+s2], $0x80, $0x38;
	[tilespmem:$0x10200] =	vst v63  }
0x109: {  	s0 =	sand.u32 $0x1FFFFFF0, s22  }
0x10a: {  	s23 =	sadd.s32 $0x900, s20;
	s0 =	sadd.s32 s4, s0  }
0x10b: {  	[tilespmem:s23], [sflag:$0x7] =	stream.linear.gather [hbm4b:s0+s2], $0x80, $0x38;
	[tilespmem:$0x10200] =	vst v63  }
0x10c: {  	s24 =	spop (v2sf)  }
0x10d: {  	s0 =	sand.u32 $0x1FFFFFF0, s24  }
0x10e: {  	s25 =	sadd.s32 $0x980, s20;
	s26 =	simm.s32 $0x1;
	s0 =	sadd.s32 s4, s0  }
0x10f: {  	[tilespmem:s25], [sflag:$0x8] =	stream.linear.gather [hbm4b:s0+s2], $0x80, $0x38;
	[tilespmem:$0x10200] =	vst v63  }
0x110: {  	_ =	swait.ge [sflag:s26], $0x2000  }
0x111: {  	[sflag:s26] =	ssyncset.done $0x0  }
0x112: {  	s28 =	simm.s32 $0x2;
	[sflag:s26] =	ssyncadd.s32 $0xFFFFE000  }
0x113: {  	_ =	swait.ge [sflag:s28], $0x2000  }
0x114: {  	[sflag:s28] =	ssyncset.done $0x0  }
0x115: {  	[sflag:s28] =	ssyncadd.s32 $0xFFFFE000  }
0x116: {  	_ =	swait.ge [sflag:s12], $0x2000  }
0x117: {  	[sflag:s12] =	ssyncset.done $0x0  }
0x118: {  	[sflag:s12] =	ssyncadd.s32 $0xFFFFE000  }
0x119: {  	_ =	swait.ge [sflag:s13], $0x2000  }
0x11a: {  	[sflag:s13] =	ssyncset.done $0x0  }
0x11b: {  	[sflag:s13] =	ssyncadd.s32 $0xFFFFE000  }
0x11c: {  	_ =	swait.ge [sflag:s14], $0x2000  }
0x11d: {  	[sflag:s14] =	ssyncset.done $0x0  }
0x11e: {  	[sflag:s14] =	ssyncadd.s32 $0xFFFFE000  }
0x11f: {  	_ =	swait.ge [sflag:s15], $0x2000  }
0x120: {  	[sflag:s15] =	ssyncset.done $0x0  }
0x121: {  	[sflag:s15] =	ssyncadd.s32 $0xFFFFE000  }
0x122: {  	_ =	swait.ge [sflag:s16], $0x2000  }
0x123: {  	[sflag:s16] =	ssyncset.done $0x0  }
0x124: {  	[sflag:s16] =	ssyncadd.s32 $0xFFFFE000  }
0x125: {  	_ =	swait.ge [sflag:s17], $0x2000  }
0x126: {  	[sflag:s17] =	ssyncset.done $0x0  }
0x127: {  	s30 =	simm.s32 $0x200;
	s29 =	rddreg [dreg:$0x5];
	[sflag:s17] =	ssyncadd.s32 $0xFFFFE000  }
0x128: {  	[hbm4b:s29+s2] =	stream.linear.scatter [tilespmem:s30], [sflag:$0x9], $0x10000, $0x38;
	[tilespmem:$0x10200] =	vst v63  }
0x129: {  	_ =	swait.ge [sflag:s9], $0x10000  }
0x12a: {  	s19 =	sadd.s32 $0x1, s19;
	s31 =	rddreg [dreg:$0x6]  }
0x12b: {  	p0 =	sne.s32 s19, s31  }
.Ltmp2:
0x12c: {  	_ = 	snop;
	(pc) =	sbr.rel @p0 .LBB2_1-.Ltmp2, $3  }
0x12d: {  	_ =	sdelay $0x1  }
0x12e: {  	[sflag:s9] =	ssyncset.done $0x0  }
0x12f: {  	[sflag:s9] =	ssyncadd.s32 $0xFFFF0000  }
0x130: {  	_ =	sfence.sel $0x180000  }
0x131: {  	[bflag:$0x0] =	sbarrier.arrive $0xFFFF  }
0x132: {  	_ =	strace $0x90000047  }
0x133: {  	s0 =	stileid.u32;
	[bflag:$0x2] =	sbarrier.arrive $0xFFFF  }
0x134: {  	p0 =	sne.s32 s0, $0x0;
	s0 =	rddreg [dreg:$0x2]  }
0x135: {  	s0 =	sadd.s32 @!p0 $0x100000, s0  }
0x136: {  	[sflag:s0] =	ssyncadd.tile.s32 @!p0 $0x1;
	_ =	shalt  }
.Lfunc_end2:
_tile_overlayer_lowered:
.L_overlay_start_2:
0x137: {  	(tag) =	ssettag $0x2  }
0x138: {  	s0 =	rddreg [dreg:$0x0];
	s2 =	stileid.u32  }
0x139: {  	s1 =	rddreg [dreg:$0x1];
	p0 =	sne.s32 s2, $0x0  }
0x13a: {  	s3 =	rddreg [dreg:$0x2];
	[bflag:$0x3] =	sbarrier.arrive $0xFFFF;
	s2 =	simm.s32 @!p0 $0x1C09  }
0x13b: {  	[timem:s3], [sflag:s2] =	dma.local @!p0 [hbm:s0], s1  }
0x13c: {  	s0 =	simm.s32 @!p0 $0x9  }
0x13d: {  	_ =	swait.ge @!p0 [sflag:s0], s1  }
0x13e: {  	s1 =	ssub.s32 @!p0 $0x0, s1;
	[sflag:s0] =	ssyncset.done @!p0 $0x0  }
0x13f: {  	[sflag:s0] =	ssyncadd.s32 @!p0 s1  }
0x140: {  	[bflag:$0x3] =	sbarrier.arrive $0xFFFF  }
0x141: {  	_ =	shalt  }

</sc_bundles>
